<compile_context>
chip_gen: v7x
topology: tpu7x:2x2x1
jax: 0.10.2.dev20260603
libtpu: 0.0.44.dev20260713+nightly
codegen_flags: <defaults>
</compile_context>

<pallas_src>
import functools

import jax
import jax.numpy as jnp
from jax import lax
from jax.experimental import pallas as pl
from jax.experimental.pallas import tpu as pltpu
from jax.experimental.pallas import tpu_sc as plsc

DIM = 100
PADW = 128
SEQ = 200
SPLIT = 104
NBUF = 4


@functools.cache
def _make_kernel(nb, seq):
    assert seq == SEQ
    info = plsc.get_sparse_core_info()
    nc, ns = info.num_cores, info.num_subcores
    nw = nc * ns
    n_chunks = nb // nw
    assert nb % nw == 0 and n_chunks % NBUF == 0 and n_chunks >= 2 * NBUF

    def body(x_hbm, table_hbm, out_hbm, *refs):
        idx_b = refs[0:NBUF]
        rows_p = refs[NBUF:2 * NBUF]
        sem_i = refs[2 * NBUF:3 * NBUF]
        sem_g = refs[3 * NBUF:4 * NBUF]
        sem_o = refs[4 * NBUF:5 * NBUF]
        wid = lax.axis_index("s") * nc + lax.axis_index("c")
        base = wid * n_chunks

        def start_idx(c, b):
            pltpu.async_copy(x_hbm.at[base + c], idx_b[b], sem_i[b])

        def wait_idx(b):
            pltpu.make_async_copy(x_hbm.at[base], idx_b[b], sem_i[b]).wait()

        def start_gather(b):
            pltpu.async_copy(
                table_hbm.at[idx_b[b].at[pl.ds(0, SPLIT)]],
                rows_p[b].at[pl.ds(0, SPLIT)],
                sem_g[b],
            )
            pltpu.async_copy(
                table_hbm.at[idx_b[b].at[pl.ds(SPLIT, SEQ - SPLIT)]],
                rows_p[b].at[pl.ds(SPLIT, SEQ - SPLIT)],
                sem_g[b],
            )

        def wait_gather(b):
            pltpu.make_async_copy(
                table_hbm.at[idx_b[b].at[pl.ds(0, SPLIT)]],
                rows_p[b].at[pl.ds(0, SPLIT)],
                sem_g[b],
            ).wait()
            pltpu.make_async_copy(
                table_hbm.at[idx_b[b].at[pl.ds(SPLIT, SEQ - SPLIT)]],
                rows_p[b].at[pl.ds(SPLIT, SEQ - SPLIT)],
                sem_g[b],
            ).wait()

        def start_out(c, b):
            pltpu.async_copy(rows_p[b], out_hbm.at[base + c], sem_o[b])

        def wait_out(b):
            pltpu.make_async_copy(rows_p[b], out_hbm.at[base], sem_o[b]).wait()

        def handle(c, b, start_next_idx, start_next_gather, prior_out):
            wait_gather(b)
            if start_next_idx:
                start_idx(c + NBUF, b)
            if start_next_gather:
                nb3 = (b + NBUF - 1) % NBUF
                wait_idx(nb3)
                if prior_out:
                    wait_out(nb3)
                start_gather(nb3)
            start_out(c, b)

        for k in range(NBUF):
            start_idx(k, k)
        for k in range(NBUF - 1):
            wait_idx(k)
            start_gather(k)

        handle(0, 0, True, True, False)
        for c in range(1, NBUF):
            handle(c, c % NBUF, True, True, True)

        def outer(g, carry):
            c0 = g * NBUF
            for u in range(NBUF):
                handle(c0 + u, u, True, True, True)
            return carry

        lax.fori_loop(1, n_chunks // NBUF - 1, outer, 0)

        for u in range(NBUF):
            c = n_chunks - NBUF + u
            handle(c, u, False, u == 0, u == 0)
        for u in range(NBUF):
            wait_out(u)

    mesh = plsc.VectorSubcoreMesh(core_axis_name="c", subcore_axis_name="s")
    return pl.kernel(
        body,
        out_type=jax.ShapeDtypeStruct((nb, SEQ, PADW), jnp.float32),
        mesh=mesh,
        compiler_params=pltpu.CompilerParams(
            use_tc_tiling_on_sc=True, needs_layout_passes=False
        ),
        scratch_types=(
            [pltpu.VMEM((SEQ,), jnp.int32) for _ in range(NBUF)]
            + [pltpu.VMEM((SEQ, PADW), jnp.float32) for _ in range(NBUF)]
            + [pltpu.SemaphoreType.DMA] * (3 * NBUF)
        ),
    )


def kernel(x, table):
    nb, seq = x.shape
    xi = x.astype(jnp.int32)
    tp = jnp.pad(table, ((0, 0), (0, PADW - DIM)))
    out = _make_kernel(nb, seq)(xi, tp)
    return out[..., :DIM]

# --- scband reference (transcript-rebuilt; emitter-appended) ---
"""Pipeline reference for scband-glove-embedding-8254927143406 (READ-ONLY COPY).

The authoritative reference and input builder live on the scoring server;
editing this copy changes nothing except your own understanding.
"""

import jax, jax.numpy as jnp
import numpy as np

VOCAB = 100000
DIM = 100
PAD_IDX = 0


def setup_inputs(seed: int = 0) -> dict:
    key = jax.random.key(seed)
    k1, k2 = jax.random.split(key)
    x = jax.random.randint(k1, (4096, 200), 0, VOCAB)
    # Emulate GloVe-initialized table: pretrained vectors / uniform(-0.25, 0.25) for OOV,
    # zeros at padding_idx.
    table = jax.random.uniform(k2, (VOCAB, DIM), dtype=jnp.float32, minval=-0.25, maxval=0.25)
    table = table.at[PAD_IDX].set(0.0)
    return {"x": x, "table": table}


def reference(x, table):
    # GloveEmbedding.forward: self.embedding(x) -> row gather from pretrained table
    return jnp.take(table, x, axis=0)

if __name__ == "__main__":
    import jax
    _d = setup_inputs()
    print(jax.jit(kernel)(*tuple(_d.values())))

</pallas_src>

<mosaic_0001>
#map = affine_map<(d0, d1) -> (0, 0)>
#map1 = affine_map<(d0, d1) -> (0, 0, 0)>
module attributes {stable_mosaic.version = 14 : i64} {
  func.func @body(%arg0: i32, %arg1: i32, %arg2: memref<4096x200xi32, #tpu.memory_space<hbm>>, %arg3: memref<100000x128xf32, #tpu.memory_space<hbm>>, %arg4: memref<4096x200x128xf32, #tpu.memory_space<hbm>>, %arg5: memref<200xi32, #tpu.memory_space<vmem>>, %arg6: memref<200xi32, #tpu.memory_space<vmem>>, %arg7: memref<200xi32, #tpu.memory_space<vmem>>, %arg8: memref<200xi32, #tpu.memory_space<vmem>>, %arg9: memref<200x128xf32, #tpu.memory_space<vmem>>, %arg10: memref<200x128xf32, #tpu.memory_space<vmem>>, %arg11: memref<200x128xf32, #tpu.memory_space<vmem>>, %arg12: memref<200x128xf32, #tpu.memory_space<vmem>>, %arg13: memref<!tpu.dma_semaphore, #tpu.memory_space<semaphore_mem>>, %arg14: memref<!tpu.dma_semaphore, #tpu.memory_space<semaphore_mem>>, %arg15: memref<!tpu.dma_semaphore, #tpu.memory_space<semaphore_mem>>, %arg16: memref<!tpu.dma_semaphore, #tpu.memory_space<semaphore_mem>>, %arg17: memref<!tpu.dma_semaphore, #tpu.memory_space<semaphore_mem>>, %arg18: memref<!tpu.dma_semaphore, #tpu.memory_space<semaphore_mem>>, %arg19: memref<!tpu.dma_semaphore, #tpu.memory_space<semaphore_mem>>, %arg20: memref<!tpu.dma_semaphore, #tpu.memory_space<semaphore_mem>>, %arg21: memref<!tpu.dma_semaphore, #tpu.memory_space<semaphore_mem>>, %arg22: memref<!tpu.dma_semaphore, #tpu.memory_space<semaphore_mem>>, %arg23: memref<!tpu.dma_semaphore, #tpu.memory_space<semaphore_mem>>, %arg24: memref<!tpu.dma_semaphore, #tpu.memory_space<semaphore_mem>>) attributes {dimension_semantics = [#tpu.dimension_semantics<core_parallel>, #tpu.dimension_semantics<subcore_parallel>], iteration_bounds = array<i64: 2, 16>, scalar_prefetch = 0 : i64, scratch_operands = 20 : i64, tpu.core_type = #tpu.core_type<sc_vector_subcore>, window_params = [{transform_indices = #map}, {transform_indices = #map}, {transform_indices = #map1}]} {
    %mul3A = arith.constant 2 : i32
    %mul3A_0 = arith.muli %arg1, %mul3A : i32
    %add3A = arith.addi %mul3A_0, %arg0 : i32
    %mul3A_1 = arith.constant 128 : i32
    %mul3A_2 = arith.muli %add3A, %mul3A_1 : i32
    %add3A_3 = arith.constant 0 : i32
    %add3A_4 = arith.addi %mul3A_2, %add3A_3 : i32
    %dma_start3A = arith.constant 0 : i32
    %dma_start3A_5 = tpu.memref_slice %arg2[%add3A_4, %dma_start3A] : memref<4096x200xi32, #tpu.memory_space<hbm>> -> memref<1x200xi32, #tpu.memory_space<hbm>>
    %dma_start3A_6 = tpu.memref_squeeze %dma_start3A_5 : memref<1x200xi32, #tpu.memory_space<hbm>> -> memref<200xi32, #tpu.memory_space<hbm>>
    %dma_start3A_7 = arith.constant 0 : i32
    %dma_start3A_8 = tpu.memref_slice %arg2[%add3A_4, %dma_start3A_7] : memref<4096x200xi32, #tpu.memory_space<hbm>> -> memref<1x200xi32, #tpu.memory_space<hbm>>
    %dma_start3A_9 = tpu.memref_squeeze %dma_start3A_8 : memref<1x200xi32, #tpu.memory_space<hbm>> -> memref<200xi32, #tpu.memory_space<hbm>>
    tpu.enqueue_dma source(%dma_start3A_9 : memref<200xi32, #tpu.memory_space<hbm>>) target(%arg5 : memref<200xi32, #tpu.memory_space<vmem>>) target_semaphore(%arg13 : memref<!tpu.dma_semaphore, #tpu.memory_space<semaphore_mem>>)
    %add3A_10 = arith.constant 1 : i32
    %add3A_11 = arith.addi %mul3A_2, %add3A_10 : i32
    %dma_start3A_12 = arith.constant 0 : i32
    %dma_start3A_13 = tpu.memref_slice %arg2[%add3A_11, %dma_start3A_12] : memref<4096x200xi32, #tpu.memory_space<hbm>> -> memref<1x200xi32, #tpu.memory_space<hbm>>
    %dma_start3A_14 = tpu.memref_squeeze %dma_start3A_13 : memref<1x200xi32, #tpu.memory_space<hbm>> -> memref<200xi32, #tpu.memory_space<hbm>>
    %dma_start3A_15 = arith.constant 0 : i32
    %dma_start3A_16 = tpu.memref_slice %arg2[%add3A_11, %dma_start3A_15] : memref<4096x200xi32, #tpu.memory_space<hbm>> -> memref<1x200xi32, #tpu.memory_space<hbm>>
    %dma_start3A_17 = tpu.memref_squeeze %dma_start3A_16 : memref<1x200xi32, #tpu.memory_space<hbm>> -> memref<200xi32, #tpu.memory_space<hbm>>
    tpu.enqueue_dma source(%dma_start3A_17 : memref<200xi32, #tpu.memory_space<hbm>>) target(%arg6 : memref<200xi32, #tpu.memory_space<vmem>>) target_semaphore(%arg14 : memref<!tpu.dma_semaphore, #tpu.memory_space<semaphore_mem>>)
    %add3A_18 = arith.constant 2 : i32
    %add3A_19 = arith.addi %mul3A_2, %add3A_18 : i32
    %dma_start3A_20 = arith.constant 0 : i32
    %dma_start3A_21 = tpu.memref_slice %arg2[%add3A_19, %dma_start3A_20] : memref<4096x200xi32, #tpu.memory_space<hbm>> -> memref<1x200xi32, #tpu.memory_space<hbm>>
    %dma_start3A_22 = tpu.memref_squeeze %dma_start3A_21 : memref<1x200xi32, #tpu.memory_space<hbm>> -> memref<200xi32, #tpu.memory_space<hbm>>
    %dma_start3A_23 = arith.constant 0 : i32
    %dma_start3A_24 = tpu.memref_slice %arg2[%add3A_19, %dma_start3A_23] : memref<4096x200xi32, #tpu.memory_space<hbm>> -> memref<1x200xi32, #tpu.memory_space<hbm>>
    %dma_start3A_25 = tpu.memref_squeeze %dma_start3A_24 : memref<1x200xi32, #tpu.memory_space<hbm>> -> memref<200xi32, #tpu.memory_space<hbm>>
    tpu.enqueue_dma source(%dma_start3A_25 : memref<200xi32, #tpu.memory_space<hbm>>) target(%arg7 : memref<200xi32, #tpu.memory_space<vmem>>) target_semaphore(%arg15 : memref<!tpu.dma_semaphore, #tpu.memory_space<semaphore_mem>>)
    %add3A_26 = arith.constant 3 : i32
    %add3A_27 = arith.addi %mul3A_2, %add3A_26 : i32
    %dma_start3A_28 = arith.constant 0 : i32
    %dma_start3A_29 = tpu.memref_slice %arg2[%add3A_27, %dma_start3A_28] : memref<4096x200xi32, #tpu.memory_space<hbm>> -> memref<1x200xi32, #tpu.memory_space<hbm>>
    %dma_start3A_30 = tpu.memref_squeeze %dma_start3A_29 : memref<1x200xi32, #tpu.memory_space<hbm>> -> memref<200xi32, #tpu.memory_space<hbm>>
    %dma_start3A_31 = arith.constant 0 : i32
    %dma_start3A_32 = tpu.memref_slice %arg2[%add3A_27, %dma_start3A_31] : memref<4096x200xi32, #tpu.memory_space<hbm>> -> memref<1x200xi32, #tpu.memory_space<hbm>>
    %dma_start3A_33 = tpu.memref_squeeze %dma_start3A_32 : memref<1x200xi32, #tpu.memory_space<hbm>> -> memref<200xi32, #tpu.memory_space<hbm>>
    tpu.enqueue_dma source(%dma_start3A_33 : memref<200xi32, #tpu.memory_space<hbm>>) target(%arg8 : memref<200xi32, #tpu.memory_space<vmem>>) target_semaphore(%arg16 : memref<!tpu.dma_semaphore, #tpu.memory_space<semaphore_mem>>)
    %dma_wait3A = arith.constant 0 : i32
    %dma_wait3A_34 = tpu.memref_slice %arg2[%mul3A_2, %dma_wait3A] : memref<4096x200xi32, #tpu.memory_space<hbm>> -> memref<1x200xi32, #tpu.memory_space<hbm>>
    %dma_wait3A_35 = tpu.memref_squeeze %dma_wait3A_34 : memref<1x200xi32, #tpu.memory_space<hbm>> -> memref<200xi32, #tpu.memory_space<hbm>>
    %dma_wait3A_36 = arith.constant 0 : i32
    %dma_wait3A_37 = tpu.memref_slice %arg2[%mul3A_2, %dma_wait3A_36] : memref<4096x200xi32, #tpu.memory_space<hbm>> -> memref<1x200xi32, #tpu.memory_space<hbm>>
    %dma_wait3A_38 = tpu.memref_squeeze %dma_wait3A_37 : memref<1x200xi32, #tpu.memory_space<hbm>> -> memref<200xi32, #tpu.memory_space<hbm>>
    tpu.wait_dma2 semaphore(%arg13 : memref<!tpu.dma_semaphore, #tpu.memory_space<semaphore_mem>>) src(%dma_wait3A_38 : memref<200xi32, #tpu.memory_space<hbm>>) dst(%arg5 : memref<200xi32, #tpu.memory_space<vmem>>)
    %dma_start3A_39 = arith.constant 0 : i32
    %dma_start3A_40 = arith.constant 0 : i32
    %dma_start3A_41 = tpu.memref_slice %arg9[%dma_start3A_39, %dma_start3A_40] : memref<200x128xf32, #tpu.memory_space<vmem>> -> memref<104x128xf32, #tpu.memory_space<vmem>>
    %dma_start3A_42 = arith.constant 0 : i32
    %dma_start3A_43 = tpu.memref_slice %arg5[%dma_start3A_42] : memref<200xi32, #tpu.memory_space<vmem>> -> memref<104xi32, #tpu.memory_space<vmem>>
    %dma_start3A_44 = arith.constant 0 : i32
    %dma_start3A_45 = arith.constant 0 : i32
    %dma_start3A_46 = tpu.memref_slice %arg3[%dma_start3A_44, %dma_start3A_45] : memref<100000x128xf32, #tpu.memory_space<hbm>> -> memref<100000x128xf32, #tpu.memory_space<hbm>>
    tpu.enqueue_indirect_dma source(%dma_start3A_46 : memref<100000x128xf32, #tpu.memory_space<hbm>>) target(%dma_start3A_41 : memref<104x128xf32, #tpu.memory_space<vmem>>) offsets(%dma_start3A_43 : memref<104xi32, #tpu.memory_space<vmem>>) semaphore(%arg17 : memref<!tpu.dma_semaphore, #tpu.memory_space<semaphore_mem>>)
    %dma_start3A_47 = arith.constant 104 : i32
    %dma_start3A_48 = arith.constant 0 : i32
    %dma_start3A_49 = tpu.memref_slice %arg9[%dma_start3A_47, %dma_start3A_48] : memref<200x128xf32, #tpu.memory_space<vmem>> -> memref<96x128xf32, #tpu.memory_space<vmem>>
    %dma_start3A_50 = arith.constant 104 : i32
    %dma_start3A_51 = tpu.memref_slice %arg5[%dma_start3A_50] : memref<200xi32, #tpu.memory_space<vmem>> -> memref<96xi32, #tpu.memory_space<vmem>>
    %dma_start3A_52 = arith.constant 0 : i32
    %dma_start3A_53 = arith.constant 0 : i32
    %dma_start3A_54 = tpu.memref_slice %arg3[%dma_start3A_52, %dma_start3A_53] : memref<100000x128xf32, #tpu.memory_space<hbm>> -> memref<100000x128xf32, #tpu.memory_space<hbm>>
    tpu.enqueue_indirect_dma source(%dma_start3A_54 : memref<100000x128xf32, #tpu.memory_space<hbm>>) target(%dma_start3A_49 : memref<96x128xf32, #tpu.memory_space<vmem>>) offsets(%dma_start3A_51 : memref<96xi32, #tpu.memory_space<vmem>>) semaphore(%arg17 : memref<!tpu.dma_semaphore, #tpu.memory_space<semaphore_mem>>)
    %dma_wait3A_55 = arith.constant 0 : i32
    %dma_wait3A_56 = tpu.memref_slice %arg2[%mul3A_2, %dma_wait3A_55] : memref<4096x200xi32, #tpu.memory_space<hbm>> -> memref<1x200xi32, #tpu.memory_space<hbm>>
    %dma_wait3A_57 = tpu.memref_squeeze %dma_wait3A_56 : memref<1x200xi32, #tpu.memory_space<hbm>> -> memref<200xi32, #tpu.memory_space<hbm>>
    %dma_wait3A_58 = arith.constant 0 : i32
    %dma_wait3A_59 = tpu.memref_slice %arg2[%mul3A_2, %dma_wait3A_58] : memref<4096x200xi32, #tpu.memory_space<hbm>> -> memref<1x200xi32, #tpu.memory_space<hbm>>
    %dma_wait3A_60 = tpu.memref_squeeze %dma_wait3A_59 : memref<1x200xi32, #tpu.memory_space<hbm>> -> memref<200xi32, #tpu.memory_space<hbm>>
    tpu.wait_dma2 semaphore(%arg14 : memref<!tpu.dma_semaphore, #tpu.memory_space<semaphore_mem>>) src(%dma_wait3A_60 : memref<200xi32, #tpu.memory_space<hbm>>) dst(%arg6 : memref<200xi32, #tpu.memory_space<vmem>>)
    %dma_start3A_61 = arith.constant 0 : i32
    %dma_start3A_62 = arith.constant 0 : i32
    %dma_start3A_63 = tpu.memref_slice %arg10[%dma_start3A_61, %dma_start3A_62] : memref<200x128xf32, #tpu.memory_space<vmem>> -> memref<104x128xf32, #tpu.memory_space<vmem>>
    %dma_start3A_64 = arith.constant 0 : i32
    %dma_start3A_65 = tpu.memref_slice %arg6[%dma_start3A_64] : memref<200xi32, #tpu.memory_space<vmem>> -> memref<104xi32, #tpu.memory_space<vmem>>
    %dma_start3A_66 = arith.constant 0 : i32
    %dma_start3A_67 = arith.constant 0 : i32
    %dma_start3A_68 = tpu.memref_slice %arg3[%dma_start3A_66, %dma_start3A_67] : memref<100000x128xf32, #tpu.memory_space<hbm>> -> memref<100000x128xf32, #tpu.memory_space<hbm>>
    tpu.enqueue_indirect_dma source(%dma_start3A_68 : memref<100000x128xf32, #tpu.memory_space<hbm>>) target(%dma_start3A_63 : memref<104x128xf32, #tpu.memory_space<vmem>>) offsets(%dma_start3A_65 : memref<104xi32, #tpu.memory_space<vmem>>) semaphore(%arg18 : memref<!tpu.dma_semaphore, #tpu.memory_space<semaphore_mem>>)
    %dma_start3A_69 = arith.constant 104 : i32
    %dma_start3A_70 = arith.constant 0 : i32
    %dma_start3A_71 = tpu.memref_slice %arg10[%dma_start3A_69, %dma_start3A_70] : memref<200x128xf32, #tpu.memory_space<vmem>> -> memref<96x128xf32, #tpu.memory_space<vmem>>
    %dma_start3A_72 = arith.constant 104 : i32
    %dma_start3A_73 = tpu.memref_slice %arg6[%dma_start3A_72] : memref<200xi32, #tpu.memory_space<vmem>> -> memref<96xi32, #tpu.memory_space<vmem>>
    %dma_start3A_74 = arith.constant 0 : i32
    %dma_start3A_75 = arith.constant 0 : i32
    %dma_start3A_76 = tpu.memref_slice %arg3[%dma_start3A_74, %dma_start3A_75] : memref<100000x128xf32, #tpu.memory_space<hbm>> -> memref<100000x128xf32, #tpu.memory_space<hbm>>
    tpu.enqueue_indirect_dma source(%dma_start3A_76 : memref<100000x128xf32, #tpu.memory_space<hbm>>) target(%dma_start3A_71 : memref<96x128xf32, #tpu.memory_space<vmem>>) offsets(%dma_start3A_73 : memref<96xi32, #tpu.memory_space<vmem>>) semaphore(%arg18 : memref<!tpu.dma_semaphore, #tpu.memory_space<semaphore_mem>>)
    %dma_wait3A_77 = arith.constant 0 : i32
    %dma_wait3A_78 = tpu.memref_slice %arg2[%mul3A_2, %dma_wait3A_77] : memref<4096x200xi32, #tpu.memory_space<hbm>> -> memref<1x200xi32, #tpu.memory_space<hbm>>
    %dma_wait3A_79 = tpu.memref_squeeze %dma_wait3A_78 : memref<1x200xi32, #tpu.memory_space<hbm>> -> memref<200xi32, #tpu.memory_space<hbm>>
    %dma_wait3A_80 = arith.constant 0 : i32
    %dma_wait3A_81 = tpu.memref_slice %arg2[%mul3A_2, %dma_wait3A_80] : memref<4096x200xi32, #tpu.memory_space<hbm>> -> memref<1x200xi32, #tpu.memory_space<hbm>>
    %dma_wait3A_82 = tpu.memref_squeeze %dma_wait3A_81 : memref<1x200xi32, #tpu.memory_space<hbm>> -> memref<200xi32, #tpu.memory_space<hbm>>
    tpu.wait_dma2 semaphore(%arg15 : memref<!tpu.dma_semaphore, #tpu.memory_space<semaphore_mem>>) src(%dma_wait3A_82 : memref<200xi32, #tpu.memory_space<hbm>>) dst(%arg7 : memref<200xi32, #tpu.memory_space<vmem>>)
    %dma_start3A_83 = arith.constant 0 : i32
    %dma_start3A_84 = arith.constant 0 : i32
    %dma_start3A_85 = tpu.memref_slice %arg11[%dma_start3A_83, %dma_start3A_84] : memref<200x128xf32, #tpu.memory_space<vmem>> -> memref<104x128xf32, #tpu.memory_space<vmem>>
    %dma_start3A_86 = arith.constant 0 : i32
    %dma_start3A_87 = tpu.memref_slice %arg7[%dma_start3A_86] : memref<200xi32, #tpu.memory_space<vmem>> -> memref<104xi32, #tpu.memory_space<vmem>>
    %dma_start3A_88 = arith.constant 0 : i32
    %dma_start3A_89 = arith.constant 0 : i32
    %dma_start3A_90 = tpu.memref_slice %arg3[%dma_start3A_88, %dma_start3A_89] : memref<100000x128xf32, #tpu.memory_space<hbm>> -> memref<100000x128xf32, #tpu.memory_space<hbm>>
    tpu.enqueue_indirect_dma source(%dma_start3A_90 : memref<100000x128xf32, #tpu.memory_space<hbm>>) target(%dma_start3A_85 : memref<104x128xf32, #tpu.memory_space<vmem>>) offsets(%dma_start3A_87 : memref<104xi32, #tpu.memory_space<vmem>>) semaphore(%arg19 : memref<!tpu.dma_semaphore, #tpu.memory_space<semaphore_mem>>)
    %dma_start3A_91 = arith.constant 104 : i32
    %dma_start3A_92 = arith.constant 0 : i32
    %dma_start3A_93 = tpu.memref_slice %arg11[%dma_start3A_91, %dma_start3A_92] : memref<200x128xf32, #tpu.memory_space<vmem>> -> memref<96x128xf32, #tpu.memory_space<vmem>>
    %dma_start3A_94 = arith.constant 104 : i32
    %dma_start3A_95 = tpu.memref_slice %arg7[%dma_start3A_94] : memref<200xi32, #tpu.memory_space<vmem>> -> memref<96xi32, #tpu.memory_space<vmem>>
    %dma_start3A_96 = arith.constant 0 : i32
    %dma_start3A_97 = arith.constant 0 : i32
    %dma_start3A_98 = tpu.memref_slice %arg3[%dma_start3A_96, %dma_start3A_97] : memref<100000x128xf32, #tpu.memory_space<hbm>> -> memref<100000x128xf32, #tpu.memory_space<hbm>>
    tpu.enqueue_indirect_dma source(%dma_start3A_98 : memref<100000x128xf32, #tpu.memory_space<hbm>>) target(%dma_start3A_93 : memref<96x128xf32, #tpu.memory_space<vmem>>) offsets(%dma_start3A_95 : memref<96xi32, #tpu.memory_space<vmem>>) semaphore(%arg19 : memref<!tpu.dma_semaphore, #tpu.memory_space<semaphore_mem>>)
    %dma_wait3A_99 = arith.constant 0 : i32
    %dma_wait3A_100 = arith.constant 0 : i32
    %dma_wait3A_101 = tpu.memref_slice %arg9[%dma_wait3A_99, %dma_wait3A_100] : memref<200x128xf32, #tpu.memory_space<vmem>> -> memref<104x128xf32, #tpu.memory_space<vmem>>
    %dma_wait3A_102 = arith.constant 0 : i32
    %dma_wait3A_103 = tpu.memref_slice %arg5[%dma_wait3A_102] : memref<200xi32, #tpu.memory_space<vmem>> -> memref<104xi32, #tpu.memory_space<vmem>>
    %dma_wait3A_104 = arith.constant 0 : i32
    %dma_wait3A_105 = arith.constant 0 : i32
    %dma_wait3A_106 = tpu.memref_slice %arg3[%dma_wait3A_104, %dma_wait3A_105] : memref<100000x128xf32, #tpu.memory_space<hbm>> -> memref<100000x128xf32, #tpu.memory_space<hbm>>
    tpu.wait_indirect_dma semaphore(%arg17 : memref<!tpu.dma_semaphore, #tpu.memory_space<semaphore_mem>>) src(%dma_wait3A_106 : memref<100000x128xf32, #tpu.memory_space<hbm>>) dst(%dma_wait3A_101 : memref<104x128xf32, #tpu.memory_space<vmem>>)
    %dma_wait3A_107 = arith.constant 104 : i32
    %dma_wait3A_108 = arith.constant 0 : i32
    %dma_wait3A_109 = tpu.memref_slice %arg9[%dma_wait3A_107, %dma_wait3A_108] : memref<200x128xf32, #tpu.memory_space<vmem>> -> memref<96x128xf32, #tpu.memory_space<vmem>>
    %dma_wait3A_110 = arith.constant 104 : i32
    %dma_wait3A_111 = tpu.memref_slice %arg5[%dma_wait3A_110] : memref<200xi32, #tpu.memory_space<vmem>> -> memref<96xi32, #tpu.memory_space<vmem>>
    %dma_wait3A_112 = arith.constant 0 : i32
    %dma_wait3A_113 = arith.constant 0 : i32
    %dma_wait3A_114 = tpu.memref_slice %arg3[%dma_wait3A_112, %dma_wait3A_113] : memref<100000x128xf32, #tpu.memory_space<hbm>> -> memref<100000x128xf32, #tpu.memory_space<hbm>>
    tpu.wait_indirect_dma semaphore(%arg17 : memref<!tpu.dma_semaphore, #tpu.memory_space<semaphore_mem>>) src(%dma_wait3A_114 : memref<100000x128xf32, #tpu.memory_space<hbm>>) dst(%dma_wait3A_109 : memref<96x128xf32, #tpu.memory_space<vmem>>)
    %add3A_115 = arith.constant 4 : i32
    %add3A_116 = arith.addi %mul3A_2, %add3A_115 : i32
    %dma_start3A_117 = arith.constant 0 : i32
    %dma_start3A_118 = tpu.memref_slice %arg2[%add3A_116, %dma_start3A_117] : memref<4096x200xi32, #tpu.memory_space<hbm>> -> memref<1x200xi32, #tpu.memory_space<hbm>>
    %dma_start3A_119 = tpu.memref_squeeze %dma_start3A_118 : memref<1x200xi32, #tpu.memory_space<hbm>> -> memref<200xi32, #tpu.memory_space<hbm>>
    %dma_start3A_120 = arith.constant 0 : i32
    %dma_start3A_121 = tpu.memref_slice %arg2[%add3A_116, %dma_start3A_120] : memref<4096x200xi32, #tpu.memory_space<hbm>> -> memref<1x200xi32, #tpu.memory_space<hbm>>
    %dma_start3A_122 = tpu.memref_squeeze %dma_start3A_121 : memref<1x200xi32, #tpu.memory_space<hbm>> -> memref<200xi32, #tpu.memory_space<hbm>>
    tpu.enqueue_dma source(%dma_start3A_122 : memref<200xi32, #tpu.memory_space<hbm>>) target(%arg5 : memref<200xi32, #tpu.memory_space<vmem>>) target_semaphore(%arg13 : memref<!tpu.dma_semaphore, #tpu.memory_space<semaphore_mem>>)
    %dma_wait3A_123 = arith.constant 0 : i32
    %dma_wait3A_124 = tpu.memref_slice %arg2[%mul3A_2, %dma_wait3A_123] : memref<4096x200xi32, #tpu.memory_space<hbm>> -> memref<1x200xi32, #tpu.memory_space<hbm>>
    %dma_wait3A_125 = tpu.memref_squeeze %dma_wait3A_124 : memref<1x200xi32, #tpu.memory_space<hbm>> -> memref<200xi32, #tpu.memory_space<hbm>>
    %dma_wait3A_126 = arith.constant 0 : i32
    %dma_wait3A_127 = tpu.memref_slice %arg2[%mul3A_2, %dma_wait3A_126] : memref<4096x200xi32, #tpu.memory_space<hbm>> -> memref<1x200xi32, #tpu.memory_space<hbm>>
    %dma_wait3A_128 = tpu.memref_squeeze %dma_wait3A_127 : memref<1x200xi32, #tpu.memory_space<hbm>> -> memref<200xi32, #tpu.memory_space<hbm>>
    tpu.wait_dma2 semaphore(%arg16 : memref<!tpu.dma_semaphore, #tpu.memory_space<semaphore_mem>>) src(%dma_wait3A_128 : memref<200xi32, #tpu.memory_space<hbm>>) dst(%arg8 : memref<200xi32, #tpu.memory_space<vmem>>)
    %dma_start3A_129 = arith.constant 0 : i32
    %dma_start3A_130 = arith.constant 0 : i32
    %dma_start3A_131 = tpu.memref_slice %arg12[%dma_start3A_129, %dma_start3A_130] : memref<200x128xf32, #tpu.memory_space<vmem>> -> memref<104x128xf32, #tpu.memory_space<vmem>>
    %dma_start3A_132 = arith.constant 0 : i32
    %dma_start3A_133 = tpu.memref_slice %arg8[%dma_start3A_132] : memref<200xi32, #tpu.memory_space<vmem>> -> memref<104xi32, #tpu.memory_space<vmem>>
    %dma_start3A_134 = arith.constant 0 : i32
    %dma_start3A_135 = arith.constant 0 : i32
    %dma_start3A_136 = tpu.memref_slice %arg3[%dma_start3A_134, %dma_start3A_135] : memref<100000x128xf32, #tpu.memory_space<hbm>> -> memref<100000x128xf32, #tpu.memory_space<hbm>>
    tpu.enqueue_indirect_dma source(%dma_start3A_136 : memref<100000x128xf32, #tpu.memory_space<hbm>>) target(%dma_start3A_131 : memref<104x128xf32, #tpu.memory_space<vmem>>) offsets(%dma_start3A_133 : memref<104xi32, #tpu.memory_space<vmem>>) semaphore(%arg20 : memref<!tpu.dma_semaphore, #tpu.memory_space<semaphore_mem>>)
    %dma_start3A_137 = arith.constant 104 : i32
    %dma_start3A_138 = arith.constant 0 : i32
    %dma_start3A_139 = tpu.memref_slice %arg12[%dma_start3A_137, %dma_start3A_138] : memref<200x128xf32, #tpu.memory_space<vmem>> -> memref<96x128xf32, #tpu.memory_space<vmem>>
    %dma_start3A_140 = arith.constant 104 : i32
    %dma_start3A_141 = tpu.memref_slice %arg8[%dma_start3A_140] : memref<200xi32, #tpu.memory_space<vmem>> -> memref<96xi32, #tpu.memory_space<vmem>>
    %dma_start3A_142 = arith.constant 0 : i32
    %dma_start3A_143 = arith.constant 0 : i32
    %dma_start3A_144 = tpu.memref_slice %arg3[%dma_start3A_142, %dma_start3A_143] : memref<100000x128xf32, #tpu.memory_space<hbm>> -> memref<100000x128xf32, #tpu.memory_space<hbm>>
    tpu.enqueue_indirect_dma source(%dma_start3A_144 : memref<100000x128xf32, #tpu.memory_space<hbm>>) target(%dma_start3A_139 : memref<96x128xf32, #tpu.memory_space<vmem>>) offsets(%dma_start3A_141 : memref<96xi32, #tpu.memory_space<vmem>>) semaphore(%arg20 : memref<!tpu.dma_semaphore, #tpu.memory_space<semaphore_mem>>)
    %add3A_145 = arith.constant 0 : i32
    %add3A_146 = arith.addi %mul3A_2, %add3A_145 : i32
    %dma_start3A_147 = arith.constant 0 : i32
    %dma_start3A_148 = arith.constant 0 : i32
    %dma_start3A_149 = tpu.memref_slice %arg4[%add3A_146, %dma_start3A_147, %dma_start3A_148] : memref<4096x200x128xf32, #tpu.memory_space<hbm>> -> memref<1x200x128xf32, #tpu.memory_space<hbm>>
    %dma_start3A_150 = tpu.memref_squeeze %dma_start3A_149 : memref<1x200x128xf32, #tpu.memory_space<hbm>> -> memref<200x128xf32, #tpu.memory_space<hbm>>
    %dma_start3A_151 = arith.constant 0 : i32
    %dma_start3A_152 = arith.constant 0 : i32
    %dma_start3A_153 = tpu.memref_slice %arg4[%add3A_146, %dma_start3A_151, %dma_start3A_152] : memref<4096x200x128xf32, #tpu.memory_space<hbm>> -> memref<1x200x128xf32, #tpu.memory_space<hbm>>
    %dma_start3A_154 = tpu.memref_squeeze %dma_start3A_153 : memref<1x200x128xf32, #tpu.memory_space<hbm>> -> memref<200x128xf32, #tpu.memory_space<hbm>>
    tpu.enqueue_dma source(%arg9 : memref<200x128xf32, #tpu.memory_space<vmem>>) target(%dma_start3A_154 : memref<200x128xf32, #tpu.memory_space<hbm>>) target_semaphore(%arg21 : memref<!tpu.dma_semaphore, #tpu.memory_space<semaphore_mem>>)
    %dma_wait3A_155 = arith.constant 0 : i32
    %dma_wait3A_156 = arith.constant 0 : i32
    %dma_wait3A_157 = tpu.memref_slice %arg10[%dma_wait3A_155, %dma_wait3A_156] : memref<200x128xf32, #tpu.memory_space<vmem>> -> memref<104x128xf32, #tpu.memory_space<vmem>>
    %dma_wait3A_158 = arith.constant 0 : i32
    %dma_wait3A_159 = tpu.memref_slice %arg6[%dma_wait3A_158] : memref<200xi32, #tpu.memory_space<vmem>> -> memref<104xi32, #tpu.memory_space<vmem>>
    %dma_wait3A_160 = arith.constant 0 : i32
    %dma_wait3A_161 = arith.constant 0 : i32
    %dma_wait3A_162 = tpu.memref_slice %arg3[%dma_wait3A_160, %dma_wait3A_161] : memref<100000x128xf32, #tpu.memory_space<hbm>> -> memref<100000x128xf32, #tpu.memory_space<hbm>>
    tpu.wait_indirect_dma semaphore(%arg18 : memref<!tpu.dma_semaphore, #tpu.memory_space<semaphore_mem>>) src(%dma_wait3A_162 : memref<100000x128xf32, #tpu.memory_space<hbm>>) dst(%dma_wait3A_157 : memref<104x128xf32, #tpu.memory_space<vmem>>)
    %dma_wait3A_163 = arith.constant 104 : i32
    %dma_wait3A_164 = arith.constant 0 : i32
    %dma_wait3A_165 = tpu.memref_slice %arg10[%dma_wait3A_163, %dma_wait3A_164] : memref<200x128xf32, #tpu.memory_space<vmem>> -> memref<96x128xf32, #tpu.memory_space<vmem>>
    %dma_wait3A_166 = arith.constant 104 : i32
    %dma_wait3A_167 = tpu.memref_slice %arg6[%dma_wait3A_166] : memref<200xi32, #tpu.memory_space<vmem>> -> memref<96xi32, #tpu.memory_space<vmem>>
    %dma_wait3A_168 = arith.constant 0 : i32
    %dma_wait3A_169 = arith.constant 0 : i32
    %dma_wait3A_170 = tpu.memref_slice %arg3[%dma_wait3A_168, %dma_wait3A_169] : memref<100000x128xf32, #tpu.memory_space<hbm>> -> memref<100000x128xf32, #tpu.memory_space<hbm>>
    tpu.wait_indirect_dma semaphore(%arg18 : memref<!tpu.dma_semaphore, #tpu.memory_space<semaphore_mem>>) src(%dma_wait3A_170 : memref<100000x128xf32, #tpu.memory_space<hbm>>) dst(%dma_wait3A_165 : memref<96x128xf32, #tpu.memory_space<vmem>>)
    %add3A_171 = arith.constant 5 : i32
    %add3A_172 = arith.addi %mul3A_2, %add3A_171 : i32
    %dma_start3A_173 = arith.constant 0 : i32
    %dma_start3A_174 = tpu.memref_slice %arg2[%add3A_172, %dma_start3A_173] : memref<4096x200xi32, #tpu.memory_space<hbm>> -> memref<1x200xi32, #tpu.memory_space<hbm>>
    %dma_start3A_175 = tpu.memref_squeeze %dma_start3A_174 : memref<1x200xi32, #tpu.memory_space<hbm>> -> memref<200xi32, #tpu.memory_space<hbm>>
    %dma_start3A_176 = arith.constant 0 : i32
    %dma_start3A_177 = tpu.memref_slice %arg2[%add3A_172, %dma_start3A_176] : memref<4096x200xi32, #tpu.memory_space<hbm>> -> memref<1x200xi32, #tpu.memory_space<hbm>>
    %dma_start3A_178 = tpu.memref_squeeze %dma_start3A_177 : memref<1x200xi32, #tpu.memory_space<hbm>> -> memref<200xi32, #tpu.memory_space<hbm>>
    tpu.enqueue_dma source(%dma_start3A_178 : memref<200xi32, #tpu.memory_space<hbm>>) target(%arg6 : memref<200xi32, #tpu.memory_space<vmem>>) target_semaphore(%arg14 : memref<!tpu.dma_semaphore, #tpu.memory_space<semaphore_mem>>)
    %dma_wait3A_179 = arith.constant 0 : i32
    %dma_wait3A_180 = tpu.memref_slice %arg2[%mul3A_2, %dma_wait3A_179] : memref<4096x200xi32, #tpu.memory_space<hbm>> -> memref<1x200xi32, #tpu.memory_space<hbm>>
    %dma_wait3A_181 = tpu.memref_squeeze %dma_wait3A_180 : memref<1x200xi32, #tpu.memory_space<hbm>> -> memref<200xi32, #tpu.memory_space<hbm>>
    %dma_wait3A_182 = arith.constant 0 : i32
    %dma_wait3A_183 = tpu.memref_slice %arg2[%mul3A_2, %dma_wait3A_182] : memref<4096x200xi32, #tpu.memory_space<hbm>> -> memref<1x200xi32, #tpu.memory_space<hbm>>
    %dma_wait3A_184 = tpu.memref_squeeze %dma_wait3A_183 : memref<1x200xi32, #tpu.memory_space<hbm>> -> memref<200xi32, #tpu.memory_space<hbm>>
    tpu.wait_dma2 semaphore(%arg13 : memref<!tpu.dma_semaphore, #tpu.memory_space<semaphore_mem>>) src(%dma_wait3A_184 : memref<200xi32, #tpu.memory_space<hbm>>) dst(%arg5 : memref<200xi32, #tpu.memory_space<vmem>>)
    %dma_wait3A_185 = arith.constant 0 : i32
    %dma_wait3A_186 = arith.constant 0 : i32
    %dma_wait3A_187 = tpu.memref_slice %arg4[%mul3A_2, %dma_wait3A_185, %dma_wait3A_186] : memref<4096x200x128xf32, #tpu.memory_space<hbm>> -> memref<1x200x128xf32, #tpu.memory_space<hbm>>
    %dma_wait3A_188 = tpu.memref_squeeze %dma_wait3A_187 : memref<1x200x128xf32, #tpu.memory_space<hbm>> -> memref<200x128xf32, #tpu.memory_space<hbm>>
    %dma_wait3A_189 = arith.constant 0 : i32
    %dma_wait3A_190 = arith.constant 0 : i32
    %dma_wait3A_191 = tpu.memref_slice %arg4[%mul3A_2, %dma_wait3A_189, %dma_wait3A_190] : memref<4096x200x128xf32, #tpu.memory_space<hbm>> -> memref<1x200x128xf32, #tpu.memory_space<hbm>>
    %dma_wait3A_192 = tpu.memref_squeeze %dma_wait3A_191 : memref<1x200x128xf32, #tpu.memory_space<hbm>> -> memref<200x128xf32, #tpu.memory_space<hbm>>
    tpu.wait_dma2 semaphore(%arg21 : memref<!tpu.dma_semaphore, #tpu.memory_space<semaphore_mem>>) src(%arg9 : memref<200x128xf32, #tpu.memory_space<vmem>>) dst(%dma_wait3A_192 : memref<200x128xf32, #tpu.memory_space<hbm>>)
    %dma_start3A_193 = arith.constant 0 : i32
    %dma_start3A_194 = arith.constant 0 : i32
    %dma_start3A_195 = tpu.memref_slice %arg9[%dma_start3A_193, %dma_start3A_194] : memref<200x128xf32, #tpu.memory_space<vmem>> -> memref<104x128xf32, #tpu.memory_space<vmem>>
    %dma_start3A_196 = arith.constant 0 : i32
    %dma_start3A_197 = tpu.memref_slice %arg5[%dma_start3A_196] : memref<200xi32, #tpu.memory_space<vmem>> -> memref<104xi32, #tpu.memory_space<vmem>>
    %dma_start3A_198 = arith.constant 0 : i32
    %dma_start3A_199 = arith.constant 0 : i32
    %dma_start3A_200 = tpu.memref_slice %arg3[%dma_start3A_198, %dma_start3A_199] : memref<100000x128xf32, #tpu.memory_space<hbm>> -> memref<100000x128xf32, #tpu.memory_space<hbm>>
    tpu.enqueue_indirect_dma source(%dma_start3A_200 : memref<100000x128xf32, #tpu.memory_space<hbm>>) target(%dma_start3A_195 : memref<104x128xf32, #tpu.memory_space<vmem>>) offsets(%dma_start3A_197 : memref<104xi32, #tpu.memory_space<vmem>>) semaphore(%arg17 : memref<!tpu.dma_semaphore, #tpu.memory_space<semaphore_mem>>)
    %dma_start3A_201 = arith.constant 104 : i32
    %dma_start3A_202 = arith.constant 0 : i32
    %dma_start3A_203 = tpu.memref_slice %arg9[%dma_start3A_201, %dma_start3A_202] : memref<200x128xf32, #tpu.memory_space<vmem>> -> memref<96x128xf32, #tpu.memory_space<vmem>>
    %dma_start3A_204 = arith.constant 104 : i32
    %dma_start3A_205 = tpu.memref_slice %arg5[%dma_start3A_204] : memref<200xi32, #tpu.memory_space<vmem>> -> memref<96xi32, #tpu.memory_space<vmem>>
    %dma_start3A_206 = arith.constant 0 : i32
    %dma_start3A_207 = arith.constant 0 : i32
    %dma_start3A_208 = tpu.memref_slice %arg3[%dma_start3A_206, %dma_start3A_207] : memref<100000x128xf32, #tpu.memory_space<hbm>> -> memref<100000x128xf32, #tpu.memory_space<hbm>>
    tpu.enqueue_indirect_dma source(%dma_start3A_208 : memref<100000x128xf32, #tpu.memory_space<hbm>>) target(%dma_start3A_203 : memref<96x128xf32, #tpu.memory_space<vmem>>) offsets(%dma_start3A_205 : memref<96xi32, #tpu.memory_space<vmem>>) semaphore(%arg17 : memref<!tpu.dma_semaphore, #tpu.memory_space<semaphore_mem>>)
    %add3A_209 = arith.constant 1 : i32
    %add3A_210 = arith.addi %mul3A_2, %add3A_209 : i32
    %dma_start3A_211 = arith.constant 0 : i32
    %dma_start3A_212 = arith.constant 0 : i32
    %dma_start3A_213 = tpu.memref_slice %arg4[%add3A_210, %dma_start3A_211, %dma_start3A_212] : memref<4096x200x128xf32, #tpu.memory_space<hbm>> -> memref<1x200x128xf32, #tpu.memory_space<hbm>>
    %dma_start3A_214 = tpu.memref_squeeze %dma_start3A_213 : memref<1x200x128xf32, #tpu.memory_space<hbm>> -> memref<200x128xf32, #tpu.memory_space<hbm>>
    %dma_start3A_215 = arith.constant 0 : i32
    %dma_start3A_216 = arith.constant 0 : i32
    %dma_start3A_217 = tpu.memref_slice %arg4[%add3A_210, %dma_start3A_215, %dma_start3A_216] : memref<4096x200x128xf32, #tpu.memory_space<hbm>> -> memref<1x200x128xf32, #tpu.memory_space<hbm>>
    %dma_start3A_218 = tpu.memref_squeeze %dma_start3A_217 : memref<1x200x128xf32, #tpu.memory_space<hbm>> -> memref<200x128xf32, #tpu.memory_space<hbm>>
    tpu.enqueue_dma source(%arg10 : memref<200x128xf32, #tpu.memory_space<vmem>>) target(%dma_start3A_218 : memref<200x128xf32, #tpu.memory_space<hbm>>) target_semaphore(%arg22 : memref<!tpu.dma_semaphore, #tpu.memory_space<semaphore_mem>>)
    %dma_wait3A_219 = arith.constant 0 : i32
    %dma_wait3A_220 = arith.constant 0 : i32
    %dma_wait3A_221 = tpu.memref_slice %arg11[%dma_wait3A_219, %dma_wait3A_220] : memref<200x128xf32, #tpu.memory_space<vmem>> -> memref<104x128xf32, #tpu.memory_space<vmem>>
    %dma_wait3A_222 = arith.constant 0 : i32
    %dma_wait3A_223 = tpu.memref_slice %arg7[%dma_wait3A_222] : memref<200xi32, #tpu.memory_space<vmem>> -> memref<104xi32, #tpu.memory_space<vmem>>
    %dma_wait3A_224 = arith.constant 0 : i32
    %dma_wait3A_225 = arith.constant 0 : i32
    %dma_wait3A_226 = tpu.memref_slice %arg3[%dma_wait3A_224, %dma_wait3A_225] : memref<100000x128xf32, #tpu.memory_space<hbm>> -> memref<100000x128xf32, #tpu.memory_space<hbm>>
    tpu.wait_indirect_dma semaphore(%arg19 : memref<!tpu.dma_semaphore, #tpu.memory_space<semaphore_mem>>) src(%dma_wait3A_226 : memref<100000x128xf32, #tpu.memory_space<hbm>>) dst(%dma_wait3A_221 : memref<104x128xf32, #tpu.memory_space<vmem>>)
    %dma_wait3A_227 = arith.constant 104 : i32
    %dma_wait3A_228 = arith.constant 0 : i32
    %dma_wait3A_229 = tpu.memref_slice %arg11[%dma_wait3A_227, %dma_wait3A_228] : memref<200x128xf32, #tpu.memory_space<vmem>> -> memref<96x128xf32, #tpu.memory_space<vmem>>
    %dma_wait3A_230 = arith.constant 104 : i32
    %dma_wait3A_231 = tpu.memref_slice %arg7[%dma_wait3A_230] : memref<200xi32, #tpu.memory_space<vmem>> -> memref<96xi32, #tpu.memory_space<vmem>>
    %dma_wait3A_232 = arith.constant 0 : i32
    %dma_wait3A_233 = arith.constant 0 : i32
    %dma_wait3A_234 = tpu.memref_slice %arg3[%dma_wait3A_232, %dma_wait3A_233] : memref<100000x128xf32, #tpu.memory_space<hbm>> -> memref<100000x128xf32, #tpu.memory_space<hbm>>
    tpu.wait_indirect_dma semaphore(%arg19 : memref<!tpu.dma_semaphore, #tpu.memory_space<semaphore_mem>>) src(%dma_wait3A_234 : memref<100000x128xf32, #tpu.memory_space<hbm>>) dst(%dma_wait3A_229 : memref<96x128xf32, #tpu.memory_space<vmem>>)
    %add3A_235 = arith.constant 6 : i32
    %add3A_236 = arith.addi %mul3A_2, %add3A_235 : i32
    %dma_start3A_237 = arith.constant 0 : i32
    %dma_start3A_238 = tpu.memref_slice %arg2[%add3A_236, %dma_start3A_237] : memref<4096x200xi32, #tpu.memory_space<hbm>> -> memref<1x200xi32, #tpu.memory_space<hbm>>
    %dma_start3A_239 = tpu.memref_squeeze %dma_start3A_238 : memref<1x200xi32, #tpu.memory_space<hbm>> -> memref<200xi32, #tpu.memory_space<hbm>>
    %dma_start3A_240 = arith.constant 0 : i32
    %dma_start3A_241 = tpu.memref_slice %arg2[%add3A_236, %dma_start3A_240] : memref<4096x200xi32, #tpu.memory_space<hbm>> -> memref<1x200xi32, #tpu.memory_space<hbm>>
    %dma_start3A_242 = tpu.memref_squeeze %dma_start3A_241 : memref<1x200xi32, #tpu.memory_space<hbm>> -> memref<200xi32, #tpu.memory_space<hbm>>
    tpu.enqueue_dma source(%dma_start3A_242 : memref<200xi32, #tpu.memory_space<hbm>>) target(%arg7 : memref<200xi32, #tpu.memory_space<vmem>>) target_semaphore(%arg15 : memref<!tpu.dma_semaphore, #tpu.memory_space<semaphore_mem>>)
    %dma_wait3A_243 = arith.constant 0 : i32
    %dma_wait3A_244 = tpu.memref_slice %arg2[%mul3A_2, %dma_wait3A_243] : memref<4096x200xi32, #tpu.memory_space<hbm>> -> memref<1x200xi32, #tpu.memory_space<hbm>>
    %dma_wait3A_245 = tpu.memref_squeeze %dma_wait3A_244 : memref<1x200xi32, #tpu.memory_space<hbm>> -> memref<200xi32, #tpu.memory_space<hbm>>
    %dma_wait3A_246 = arith.constant 0 : i32
    %dma_wait3A_247 = tpu.memref_slice %arg2[%mul3A_2, %dma_wait3A_246] : memref<4096x200xi32, #tpu.memory_space<hbm>> -> memref<1x200xi32, #tpu.memory_space<hbm>>
    %dma_wait3A_248 = tpu.memref_squeeze %dma_wait3A_247 : memref<1x200xi32, #tpu.memory_space<hbm>> -> memref<200xi32, #tpu.memory_space<hbm>>
    tpu.wait_dma2 semaphore(%arg14 : memref<!tpu.dma_semaphore, #tpu.memory_space<semaphore_mem>>) src(%dma_wait3A_248 : memref<200xi32, #tpu.memory_space<hbm>>) dst(%arg6 : memref<200xi32, #tpu.memory_space<vmem>>)
    %dma_wait3A_249 = arith.constant 0 : i32
    %dma_wait3A_250 = arith.constant 0 : i32
    %dma_wait3A_251 = tpu.memref_slice %arg4[%mul3A_2, %dma_wait3A_249, %dma_wait3A_250] : memref<4096x200x128xf32, #tpu.memory_space<hbm>> -> memref<1x200x128xf32, #tpu.memory_space<hbm>>
    %dma_wait3A_252 = tpu.memref_squeeze %dma_wait3A_251 : memref<1x200x128xf32, #tpu.memory_space<hbm>> -> memref<200x128xf32, #tpu.memory_space<hbm>>
    %dma_wait3A_253 = arith.constant 0 : i32
    %dma_wait3A_254 = arith.constant 0 : i32
    %dma_wait3A_255 = tpu.memref_slice %arg4[%mul3A_2, %dma_wait3A_253, %dma_wait3A_254] : memref<4096x200x128xf32, #tpu.memory_space<hbm>> -> memref<1x200x128xf32, #tpu.memory_space<hbm>>
    %dma_wait3A_256 = tpu.memref_squeeze %dma_wait3A_255 : memref<1x200x128xf32, #tpu.memory_space<hbm>> -> memref<200x128xf32, #tpu.memory_space<hbm>>
    tpu.wait_dma2 semaphore(%arg22 : memref<!tpu.dma_semaphore, #tpu.memory_space<semaphore_mem>>) src(%arg10 : memref<200x128xf32, #tpu.memory_space<vmem>>) dst(%dma_wait3A_256 : memref<200x128xf32, #tpu.memory_space<hbm>>)
    %dma_start3A_257 = arith.constant 0 : i32
    %dma_start3A_258 = arith.constant 0 : i32
    %dma_start3A_259 = tpu.memref_slice %arg10[%dma_start3A_257, %dma_start3A_258] : memref<200x128xf32, #tpu.memory_space<vmem>> -> memref<104x128xf32, #tpu.memory_space<vmem>>
    %dma_start3A_260 = arith.constant 0 : i32
    %dma_start3A_261 = tpu.memref_slice %arg6[%dma_start3A_260] : memref<200xi32, #tpu.memory_space<vmem>> -> memref<104xi32, #tpu.memory_space<vmem>>
    %dma_start3A_262 = arith.constant 0 : i32
    %dma_start3A_263 = arith.constant 0 : i32
    %dma_start3A_264 = tpu.memref_slice %arg3[%dma_start3A_262, %dma_start3A_263] : memref<100000x128xf32, #tpu.memory_space<hbm>> -> memref<100000x128xf32, #tpu.memory_space<hbm>>
    tpu.enqueue_indirect_dma source(%dma_start3A_264 : memref<100000x128xf32, #tpu.memory_space<hbm>>) target(%dma_start3A_259 : memref<104x128xf32, #tpu.memory_space<vmem>>) offsets(%dma_start3A_261 : memref<104xi32, #tpu.memory_space<vmem>>) semaphore(%arg18 : memref<!tpu.dma_semaphore, #tpu.memory_space<semaphore_mem>>)
    %dma_start3A_265 = arith.constant 104 : i32
    %dma_start3A_266 = arith.constant 0 : i32
    %dma_start3A_267 = tpu.memref_slice %arg10[%dma_start3A_265, %dma_start3A_266] : memref<200x128xf32, #tpu.memory_space<vmem>> -> memref<96x128xf32, #tpu.memory_space<vmem>>
    %dma_start3A_268 = arith.constant 104 : i32
    %dma_start3A_269 = tpu.memref_slice %arg6[%dma_start3A_268] : memref<200xi32, #tpu.memory_space<vmem>> -> memref<96xi32, #tpu.memory_space<vmem>>
    %dma_start3A_270 = arith.constant 0 : i32
    %dma_start3A_271 = arith.constant 0 : i32
    %dma_start3A_272 = tpu.memref_slice %arg3[%dma_start3A_270, %dma_start3A_271] : memref<100000x128xf32, #tpu.memory_space<hbm>> -> memref<100000x128xf32, #tpu.memory_space<hbm>>
    tpu.enqueue_indirect_dma source(%dma_start3A_272 : memref<100000x128xf32, #tpu.memory_space<hbm>>) target(%dma_start3A_267 : memref<96x128xf32, #tpu.memory_space<vmem>>) offsets(%dma_start3A_269 : memref<96xi32, #tpu.memory_space<vmem>>) semaphore(%arg18 : memref<!tpu.dma_semaphore, #tpu.memory_space<semaphore_mem>>)
    %add3A_273 = arith.constant 2 : i32
    %add3A_274 = arith.addi %mul3A_2, %add3A_273 : i32
    %dma_start3A_275 = arith.constant 0 : i32
    %dma_start3A_276 = arith.constant 0 : i32
    %dma_start3A_277 = tpu.memref_slice %arg4[%add3A_274, %dma_start3A_275, %dma_start3A_276] : memref<4096x200x128xf32, #tpu.memory_space<hbm>> -> memref<1x200x128xf32, #tpu.memory_space<hbm>>
    %dma_start3A_278 = tpu.memref_squeeze %dma_start3A_277 : memref<1x200x128xf32, #tpu.memory_space<hbm>> -> memref<200x128xf32, #tpu.memory_space<hbm>>
    %dma_start3A_279 = arith.constant 0 : i32
    %dma_start3A_280 = arith.constant 0 : i32
    %dma_start3A_281 = tpu.memref_slice %arg4[%add3A_274, %dma_start3A_279, %dma_start3A_280] : memref<4096x200x128xf32, #tpu.memory_space<hbm>> -> memref<1x200x128xf32, #tpu.memory_space<hbm>>
    %dma_start3A_282 = tpu.memref_squeeze %dma_start3A_281 : memref<1x200x128xf32, #tpu.memory_space<hbm>> -> memref<200x128xf32, #tpu.memory_space<hbm>>
    tpu.enqueue_dma source(%arg11 : memref<200x128xf32, #tpu.memory_space<vmem>>) target(%dma_start3A_282 : memref<200x128xf32, #tpu.memory_space<hbm>>) target_semaphore(%arg23 : memref<!tpu.dma_semaphore, #tpu.memory_space<semaphore_mem>>)
    %dma_wait3A_283 = arith.constant 0 : i32
    %dma_wait3A_284 = arith.constant 0 : i32
    %dma_wait3A_285 = tpu.memref_slice %arg12[%dma_wait3A_283, %dma_wait3A_284] : memref<200x128xf32, #tpu.memory_space<vmem>> -> memref<104x128xf32, #tpu.memory_space<vmem>>
    %dma_wait3A_286 = arith.constant 0 : i32
    %dma_wait3A_287 = tpu.memref_slice %arg8[%dma_wait3A_286] : memref<200xi32, #tpu.memory_space<vmem>> -> memref<104xi32, #tpu.memory_space<vmem>>
    %dma_wait3A_288 = arith.constant 0 : i32
    %dma_wait3A_289 = arith.constant 0 : i32
    %dma_wait3A_290 = tpu.memref_slice %arg3[%dma_wait3A_288, %dma_wait3A_289] : memref<100000x128xf32, #tpu.memory_space<hbm>> -> memref<100000x128xf32, #tpu.memory_space<hbm>>
    tpu.wait_indirect_dma semaphore(%arg20 : memref<!tpu.dma_semaphore, #tpu.memory_space<semaphore_mem>>) src(%dma_wait3A_290 : memref<100000x128xf32, #tpu.memory_space<hbm>>) dst(%dma_wait3A_285 : memref<104x128xf32, #tpu.memory_space<vmem>>)
    %dma_wait3A_291 = arith.constant 104 : i32
    %dma_wait3A_292 = arith.constant 0 : i32
    %dma_wait3A_293 = tpu.memref_slice %arg12[%dma_wait3A_291, %dma_wait3A_292] : memref<200x128xf32, #tpu.memory_space<vmem>> -> memref<96x128xf32, #tpu.memory_space<vmem>>
    %dma_wait3A_294 = arith.constant 104 : i32
    %dma_wait3A_295 = tpu.memref_slice %arg8[%dma_wait3A_294] : memref<200xi32, #tpu.memory_space<vmem>> -> memref<96xi32, #tpu.memory_space<vmem>>
    %dma_wait3A_296 = arith.constant 0 : i32
    %dma_wait3A_297 = arith.constant 0 : i32
    %dma_wait3A_298 = tpu.memref_slice %arg3[%dma_wait3A_296, %dma_wait3A_297] : memref<100000x128xf32, #tpu.memory_space<hbm>> -> memref<100000x128xf32, #tpu.memory_space<hbm>>
    tpu.wait_indirect_dma semaphore(%arg20 : memref<!tpu.dma_semaphore, #tpu.memory_space<semaphore_mem>>) src(%dma_wait3A_298 : memref<100000x128xf32, #tpu.memory_space<hbm>>) dst(%dma_wait3A_293 : memref<96x128xf32, #tpu.memory_space<vmem>>)
    %add3A_299 = arith.constant 7 : i32
    %add3A_300 = arith.addi %mul3A_2, %add3A_299 : i32
    %dma_start3A_301 = arith.constant 0 : i32
    %dma_start3A_302 = tpu.memref_slice %arg2[%add3A_300, %dma_start3A_301] : memref<4096x200xi32, #tpu.memory_space<hbm>> -> memref<1x200xi32, #tpu.memory_space<hbm>>
    %dma_start3A_303 = tpu.memref_squeeze %dma_start3A_302 : memref<1x200xi32, #tpu.memory_space<hbm>> -> memref<200xi32, #tpu.memory_space<hbm>>
    %dma_start3A_304 = arith.constant 0 : i32
    %dma_start3A_305 = tpu.memref_slice %arg2[%add3A_300, %dma_start3A_304] : memref<4096x200xi32, #tpu.memory_space<hbm>> -> memref<1x200xi32, #tpu.memory_space<hbm>>
    %dma_start3A_306 = tpu.memref_squeeze %dma_start3A_305 : memref<1x200xi32, #tpu.memory_space<hbm>> -> memref<200xi32, #tpu.memory_space<hbm>>
    tpu.enqueue_dma source(%dma_start3A_306 : memref<200xi32, #tpu.memory_space<hbm>>) target(%arg8 : memref<200xi32, #tpu.memory_space<vmem>>) target_semaphore(%arg16 : memref<!tpu.dma_semaphore, #tpu.memory_space<semaphore_mem>>)
    %dma_wait3A_307 = arith.constant 0 : i32
    %dma_wait3A_308 = tpu.memref_slice %arg2[%mul3A_2, %dma_wait3A_307] : memref<4096x200xi32, #tpu.memory_space<hbm>> -> memref<1x200xi32, #tpu.memory_space<hbm>>
    %dma_wait3A_309 = tpu.memref_squeeze %dma_wait3A_308 : memref<1x200xi32, #tpu.memory_space<hbm>> -> memref<200xi32, #tpu.memory_space<hbm>>
    %dma_wait3A_310 = arith.constant 0 : i32
    %dma_wait3A_311 = tpu.memref_slice %arg2[%mul3A_2, %dma_wait3A_310] : memref<4096x200xi32, #tpu.memory_space<hbm>> -> memref<1x200xi32, #tpu.memory_space<hbm>>
    %dma_wait3A_312 = tpu.memref_squeeze %dma_wait3A_311 : memref<1x200xi32, #tpu.memory_space<hbm>> -> memref<200xi32, #tpu.memory_space<hbm>>
    tpu.wait_dma2 semaphore(%arg15 : memref<!tpu.dma_semaphore, #tpu.memory_space<semaphore_mem>>) src(%dma_wait3A_312 : memref<200xi32, #tpu.memory_space<hbm>>) dst(%arg7 : memref<200xi32, #tpu.memory_space<vmem>>)
    %dma_wait3A_313 = arith.constant 0 : i32
    %dma_wait3A_314 = arith.constant 0 : i32
    %dma_wait3A_315 = tpu.memref_slice %arg4[%mul3A_2, %dma_wait3A_313, %dma_wait3A_314] : memref<4096x200x128xf32, #tpu.memory_space<hbm>> -> memref<1x200x128xf32, #tpu.memory_space<hbm>>
    %dma_wait3A_316 = tpu.memref_squeeze %dma_wait3A_315 : memref<1x200x128xf32, #tpu.memory_space<hbm>> -> memref<200x128xf32, #tpu.memory_space<hbm>>
    %dma_wait3A_317 = arith.constant 0 : i32
    %dma_wait3A_318 = arith.constant 0 : i32
    %dma_wait3A_319 = tpu.memref_slice %arg4[%mul3A_2, %dma_wait3A_317, %dma_wait3A_318] : memref<4096x200x128xf32, #tpu.memory_space<hbm>> -> memref<1x200x128xf32, #tpu.memory_space<hbm>>
    %dma_wait3A_320 = tpu.memref_squeeze %dma_wait3A_319 : memref<1x200x128xf32, #tpu.memory_space<hbm>> -> memref<200x128xf32, #tpu.memory_space<hbm>>
    tpu.wait_dma2 semaphore(%arg23 : memref<!tpu.dma_semaphore, #tpu.memory_space<semaphore_mem>>) src(%arg11 : memref<200x128xf32, #tpu.memory_space<vmem>>) dst(%dma_wait3A_320 : memref<200x128xf32, #tpu.memory_space<hbm>>)
    %dma_start3A_321 = arith.constant 0 : i32
    %dma_start3A_322 = arith.constant 0 : i32
    %dma_start3A_323 = tpu.memref_slice %arg11[%dma_start3A_321, %dma_start3A_322] : memref<200x128xf32, #tpu.memory_space<vmem>> -> memref<104x128xf32, #tpu.memory_space<vmem>>
    %dma_start3A_324 = arith.constant 0 : i32
    %dma_start3A_325 = tpu.memref_slice %arg7[%dma_start3A_324] : memref<200xi32, #tpu.memory_space<vmem>> -> memref<104xi32, #tpu.memory_space<vmem>>
    %dma_start3A_326 = arith.constant 0 : i32
    %dma_start3A_327 = arith.constant 0 : i32
    %dma_start3A_328 = tpu.memref_slice %arg3[%dma_start3A_326, %dma_start3A_327] : memref<100000x128xf32, #tpu.memory_space<hbm>> -> memref<100000x128xf32, #tpu.memory_space<hbm>>
    tpu.enqueue_indirect_dma source(%dma_start3A_328 : memref<100000x128xf32, #tpu.memory_space<hbm>>) target(%dma_start3A_323 : memref<104x128xf32, #tpu.memory_space<vmem>>) offsets(%dma_start3A_325 : memref<104xi32, #tpu.memory_space<vmem>>) semaphore(%arg19 : memref<!tpu.dma_semaphore, #tpu.memory_space<semaphore_mem>>)
    %dma_start3A_329 = arith.constant 104 : i32
    %dma_start3A_330 = arith.constant 0 : i32
    %dma_start3A_331 = tpu.memref_slice %arg11[%dma_start3A_329, %dma_start3A_330] : memref<200x128xf32, #tpu.memory_space<vmem>> -> memref<96x128xf32, #tpu.memory_space<vmem>>
    %dma_start3A_332 = arith.constant 104 : i32
    %dma_start3A_333 = tpu.memref_slice %arg7[%dma_start3A_332] : memref<200xi32, #tpu.memory_space<vmem>> -> memref<96xi32, #tpu.memory_space<vmem>>
    %dma_start3A_334 = arith.constant 0 : i32
    %dma_start3A_335 = arith.constant 0 : i32
    %dma_start3A_336 = tpu.memref_slice %arg3[%dma_start3A_334, %dma_start3A_335] : memref<100000x128xf32, #tpu.memory_space<hbm>> -> memref<100000x128xf32, #tpu.memory_space<hbm>>
    tpu.enqueue_indirect_dma source(%dma_start3A_336 : memref<100000x128xf32, #tpu.memory_space<hbm>>) target(%dma_start3A_331 : memref<96x128xf32, #tpu.memory_space<vmem>>) offsets(%dma_start3A_333 : memref<96xi32, #tpu.memory_space<vmem>>) semaphore(%arg19 : memref<!tpu.dma_semaphore, #tpu.memory_space<semaphore_mem>>)
    %add3A_337 = arith.constant 3 : i32
    %add3A_338 = arith.addi %mul3A_2, %add3A_337 : i32
    %dma_start3A_339 = arith.constant 0 : i32
    %dma_start3A_340 = arith.constant 0 : i32
    %dma_start3A_341 = tpu.memref_slice %arg4[%add3A_338, %dma_start3A_339, %dma_start3A_340] : memref<4096x200x128xf32, #tpu.memory_space<hbm>> -> memref<1x200x128xf32, #tpu.memory_space<hbm>>
    %dma_start3A_342 = tpu.memref_squeeze %dma_start3A_341 : memref<1x200x128xf32, #tpu.memory_space<hbm>> -> memref<200x128xf32, #tpu.memory_space<hbm>>
    %dma_start3A_343 = arith.constant 0 : i32
    %dma_start3A_344 = arith.constant 0 : i32
    %dma_start3A_345 = tpu.memref_slice %arg4[%add3A_338, %dma_start3A_343, %dma_start3A_344] : memref<4096x200x128xf32, #tpu.memory_space<hbm>> -> memref<1x200x128xf32, #tpu.memory_space<hbm>>
    %dma_start3A_346 = tpu.memref_squeeze %dma_start3A_345 : memref<1x200x128xf32, #tpu.memory_space<hbm>> -> memref<200x128xf32, #tpu.memory_space<hbm>>
    tpu.enqueue_dma source(%arg12 : memref<200x128xf32, #tpu.memory_space<vmem>>) target(%dma_start3A_346 : memref<200x128xf32, #tpu.memory_space<hbm>>) target_semaphore(%arg24 : memref<!tpu.dma_semaphore, #tpu.memory_space<semaphore_mem>>)
    %scan3A = arith.constant 0 : i32
    %scan3A_347 = arith.constant 1 : i32
    %scan3A_348 = arith.constant 30 : i32
    %scan3A_349 = arith.addi %scan3A_347, %scan3A_348 : i32
    %scan3A_350 = arith.constant 1 : i32
    scf.for %scan3A_518 = %scan3A_347 to %scan3A_349 step %scan3A_350  : i32 {
      %mul3A_519 = arith.constant 4 : i32
      %mul3A_520 = arith.muli %scan3A_518, %mul3A_519 : i32
      %add3A_521 = arith.constant 0 : i32
      %add3A_522 = arith.addi %mul3A_520, %add3A_521 : i32
      %dma_wait3A_523 = arith.constant 0 : i32
      %dma_wait3A_524 = arith.constant 0 : i32
      %dma_wait3A_525 = tpu.memref_slice %arg9[%dma_wait3A_523, %dma_wait3A_524] : memref<200x128xf32, #tpu.memory_space<vmem>> -> memref<104x128xf32, #tpu.memory_space<vmem>>
      %dma_wait3A_526 = arith.constant 0 : i32
      %dma_wait3A_527 = tpu.memref_slice %arg5[%dma_wait3A_526] : memref<200xi32, #tpu.memory_space<vmem>> -> memref<104xi32, #tpu.memory_space<vmem>>
      %dma_wait3A_528 = arith.constant 0 : i32
      %dma_wait3A_529 = arith.constant 0 : i32
      %dma_wait3A_530 = tpu.memref_slice %arg3[%dma_wait3A_528, %dma_wait3A_529] : memref<100000x128xf32, #tpu.memory_space<hbm>> -> memref<100000x128xf32, #tpu.memory_space<hbm>>
      tpu.wait_indirect_dma semaphore(%arg17 : memref<!tpu.dma_semaphore, #tpu.memory_space<semaphore_mem>>) src(%dma_wait3A_530 : memref<100000x128xf32, #tpu.memory_space<hbm>>) dst(%dma_wait3A_525 : memref<104x128xf32, #tpu.memory_space<vmem>>)
      %dma_wait3A_531 = arith.constant 104 : i32
      %dma_wait3A_532 = arith.constant 0 : i32
      %dma_wait3A_533 = tpu.memref_slice %arg9[%dma_wait3A_531, %dma_wait3A_532] : memref<200x128xf32, #tpu.memory_space<vmem>> -> memref<96x128xf32, #tpu.memory_space<vmem>>
      %dma_wait3A_534 = arith.constant 104 : i32
      %dma_wait3A_535 = tpu.memref_slice %arg5[%dma_wait3A_534] : memref<200xi32, #tpu.memory_space<vmem>> -> memref<96xi32, #tpu.memory_space<vmem>>
      %dma_wait3A_536 = arith.constant 0 : i32
      %dma_wait3A_537 = arith.constant 0 : i32
      %dma_wait3A_538 = tpu.memref_slice %arg3[%dma_wait3A_536, %dma_wait3A_537] : memref<100000x128xf32, #tpu.memory_space<hbm>> -> memref<100000x128xf32, #tpu.memory_space<hbm>>
      tpu.wait_indirect_dma semaphore(%arg17 : memref<!tpu.dma_semaphore, #tpu.memory_space<semaphore_mem>>) src(%dma_wait3A_538 : memref<100000x128xf32, #tpu.memory_space<hbm>>) dst(%dma_wait3A_533 : memref<96x128xf32, #tpu.memory_space<vmem>>)
      %add3A_539 = arith.constant 4 : i32
      %add3A_540 = arith.addi %add3A_522, %add3A_539 : i32
      %add3A_541 = arith.addi %mul3A_2, %add3A_540 : i32
      %dma_start3A_542 = arith.constant 0 : i32
      %dma_start3A_543 = tpu.memref_slice %arg2[%add3A_541, %dma_start3A_542] : memref<4096x200xi32, #tpu.memory_space<hbm>> -> memref<1x200xi32, #tpu.memory_space<hbm>>
      %dma_start3A_544 = tpu.memref_squeeze %dma_start3A_543 : memref<1x200xi32, #tpu.memory_space<hbm>> -> memref<200xi32, #tpu.memory_space<hbm>>
      %dma_start3A_545 = arith.constant 0 : i32
      %dma_start3A_546 = tpu.memref_slice %arg2[%add3A_541, %dma_start3A_545] : memref<4096x200xi32, #tpu.memory_space<hbm>> -> memref<1x200xi32, #tpu.memory_space<hbm>>
      %dma_start3A_547 = tpu.memref_squeeze %dma_start3A_546 : memref<1x200xi32, #tpu.memory_space<hbm>> -> memref<200xi32, #tpu.memory_space<hbm>>
      tpu.enqueue_dma source(%dma_start3A_547 : memref<200xi32, #tpu.memory_space<hbm>>) target(%arg5 : memref<200xi32, #tpu.memory_space<vmem>>) target_semaphore(%arg13 : memref<!tpu.dma_semaphore, #tpu.memory_space<semaphore_mem>>)
      %dma_wait3A_548 = arith.constant 0 : i32
      %dma_wait3A_549 = tpu.memref_slice %arg2[%mul3A_2, %dma_wait3A_548] : memref<4096x200xi32, #tpu.memory_space<hbm>> -> memref<1x200xi32, #tpu.memory_space<hbm>>
      %dma_wait3A_550 = tpu.memref_squeeze %dma_wait3A_549 : memref<1x200xi32, #tpu.memory_space<hbm>> -> memref<200xi32, #tpu.memory_space<hbm>>
      %dma_wait3A_551 = arith.constant 0 : i32
      %dma_wait3A_552 = tpu.memref_slice %arg2[%mul3A_2, %dma_wait3A_551] : memref<4096x200xi32, #tpu.memory_space<hbm>> -> memref<1x200xi32, #tpu.memory_space<hbm>>
      %dma_wait3A_553 = tpu.memref_squeeze %dma_wait3A_552 : memref<1x200xi32, #tpu.memory_space<hbm>> -> memref<200xi32, #tpu.memory_space<hbm>>
      tpu.wait_dma2 semaphore(%arg16 : memref<!tpu.dma_semaphore, #tpu.memory_space<semaphore_mem>>) src(%dma_wait3A_553 : memref<200xi32, #tpu.memory_space<hbm>>) dst(%arg8 : memref<200xi32, #tpu.memory_space<vmem>>)
      %dma_wait3A_554 = arith.constant 0 : i32
      %dma_wait3A_555 = arith.constant 0 : i32
      %dma_wait3A_556 = tpu.memref_slice %arg4[%mul3A_2, %dma_wait3A_554, %dma_wait3A_555] : memref<4096x200x128xf32, #tpu.memory_space<hbm>> -> memref<1x200x128xf32, #tpu.memory_space<hbm>>
      %dma_wait3A_557 = tpu.memref_squeeze %dma_wait3A_556 : memref<1x200x128xf32, #tpu.memory_space<hbm>> -> memref<200x128xf32, #tpu.memory_space<hbm>>
      %dma_wait3A_558 = arith.constant 0 : i32
      %dma_wait3A_559 = arith.constant 0 : i32
      %dma_wait3A_560 = tpu.memref_slice %arg4[%mul3A_2, %dma_wait3A_558, %dma_wait3A_559] : memref<4096x200x128xf32, #tpu.memory_space<hbm>> -> memref<1x200x128xf32, #tpu.memory_space<hbm>>
      %dma_wait3A_561 = tpu.memref_squeeze %dma_wait3A_560 : memref<1x200x128xf32, #tpu.memory_space<hbm>> -> memref<200x128xf32, #tpu.memory_space<hbm>>
      tpu.wait_dma2 semaphore(%arg24 : memref<!tpu.dma_semaphore, #tpu.memory_space<semaphore_mem>>) src(%arg12 : memref<200x128xf32, #tpu.memory_space<vmem>>) dst(%dma_wait3A_561 : memref<200x128xf32, #tpu.memory_space<hbm>>)
      %dma_start3A_562 = arith.constant 0 : i32
      %dma_start3A_563 = arith.constant 0 : i32
      %dma_start3A_564 = tpu.memref_slice %arg12[%dma_start3A_562, %dma_start3A_563] : memref<200x128xf32, #tpu.memory_space<vmem>> -> memref<104x128xf32, #tpu.memory_space<vmem>>
      %dma_start3A_565 = arith.constant 0 : i32
      %dma_start3A_566 = tpu.memref_slice %arg8[%dma_start3A_565] : memref<200xi32, #tpu.memory_space<vmem>> -> memref<104xi32, #tpu.memory_space<vmem>>
      %dma_start3A_567 = arith.constant 0 : i32
      %dma_start3A_568 = arith.constant 0 : i32
      %dma_start3A_569 = tpu.memref_slice %arg3[%dma_start3A_567, %dma_start3A_568] : memref<100000x128xf32, #tpu.memory_space<hbm>> -> memref<100000x128xf32, #tpu.memory_space<hbm>>
      tpu.enqueue_indirect_dma source(%dma_start3A_569 : memref<100000x128xf32, #tpu.memory_space<hbm>>) target(%dma_start3A_564 : memref<104x128xf32, #tpu.memory_space<vmem>>) offsets(%dma_start3A_566 : memref<104xi32, #tpu.memory_space<vmem>>) semaphore(%arg20 : memref<!tpu.dma_semaphore, #tpu.memory_space<semaphore_mem>>)
      %dma_start3A_570 = arith.constant 104 : i32
      %dma_start3A_571 = arith.constant 0 : i32
      %dma_start3A_572 = tpu.memref_slice %arg12[%dma_start3A_570, %dma_start3A_571] : memref<200x128xf32, #tpu.memory_space<vmem>> -> memref<96x128xf32, #tpu.memory_space<vmem>>
      %dma_start3A_573 = arith.constant 104 : i32
      %dma_start3A_574 = tpu.memref_slice %arg8[%dma_start3A_573] : memref<200xi32, #tpu.memory_space<vmem>> -> memref<96xi32, #tpu.memory_space<vmem>>
      %dma_start3A_575 = arith.constant 0 : i32
      %dma_start3A_576 = arith.constant 0 : i32
      %dma_start3A_577 = tpu.memref_slice %arg3[%dma_start3A_575, %dma_start3A_576] : memref<100000x128xf32, #tpu.memory_space<hbm>> -> memref<100000x128xf32, #tpu.memory_space<hbm>>
      tpu.enqueue_indirect_dma source(%dma_start3A_577 : memref<100000x128xf32, #tpu.memory_space<hbm>>) target(%dma_start3A_572 : memref<96x128xf32, #tpu.memory_space<vmem>>) offsets(%dma_start3A_574 : memref<96xi32, #tpu.memory_space<vmem>>) semaphore(%arg20 : memref<!tpu.dma_semaphore, #tpu.memory_space<semaphore_mem>>)
      %add3A_578 = arith.addi %mul3A_2, %add3A_522 : i32
      %dma_start3A_579 = arith.constant 0 : i32
      %dma_start3A_580 = arith.constant 0 : i32
      %dma_start3A_581 = tpu.memref_slice %arg4[%add3A_578, %dma_start3A_579, %dma_start3A_580] : memref<4096x200x128xf32, #tpu.memory_space<hbm>> -> memref<1x200x128xf32, #tpu.memory_space<hbm>>
      %dma_start3A_582 = tpu.memref_squeeze %dma_start3A_581 : memref<1x200x128xf32, #tpu.memory_space<hbm>> -> memref<200x128xf32, #tpu.memory_space<hbm>>
      %dma_start3A_583 = arith.constant 0 : i32
      %dma_start3A_584 = arith.constant 0 : i32
      %dma_start3A_585 = tpu.memref_slice %arg4[%add3A_578, %dma_start3A_583, %dma_start3A_584] : memref<4096x200x128xf32, #tpu.memory_space<hbm>> -> memref<1x200x128xf32, #tpu.memory_space<hbm>>
      %dma_start3A_586 = tpu.memref_squeeze %dma_start3A_585 : memref<1x200x128xf32, #tpu.memory_space<hbm>> -> memref<200x128xf32, #tpu.memory_space<hbm>>
      tpu.enqueue_dma source(%arg9 : memref<200x128xf32, #tpu.memory_space<vmem>>) target(%dma_start3A_586 : memref<200x128xf32, #tpu.memory_space<hbm>>) target_semaphore(%arg21 : memref<!tpu.dma_semaphore, #tpu.memory_space<semaphore_mem>>)
      %add3A_587 = arith.constant 1 : i32
      %add3A_588 = arith.addi %mul3A_520, %add3A_587 : i32
      %dma_wait3A_589 = arith.constant 0 : i32
      %dma_wait3A_590 = arith.constant 0 : i32
      %dma_wait3A_591 = tpu.memref_slice %arg10[%dma_wait3A_589, %dma_wait3A_590] : memref<200x128xf32, #tpu.memory_space<vmem>> -> memref<104x128xf32, #tpu.memory_space<vmem>>
      %dma_wait3A_592 = arith.constant 0 : i32
      %dma_wait3A_593 = tpu.memref_slice %arg6[%dma_wait3A_592] : memref<200xi32, #tpu.memory_space<vmem>> -> memref<104xi32, #tpu.memory_space<vmem>>
      %dma_wait3A_594 = arith.constant 0 : i32
      %dma_wait3A_595 = arith.constant 0 : i32
      %dma_wait3A_596 = tpu.memref_slice %arg3[%dma_wait3A_594, %dma_wait3A_595] : memref<100000x128xf32, #tpu.memory_space<hbm>> -> memref<100000x128xf32, #tpu.memory_space<hbm>>
      tpu.wait_indirect_dma semaphore(%arg18 : memref<!tpu.dma_semaphore, #tpu.memory_space<semaphore_mem>>) src(%dma_wait3A_596 : memref<100000x128xf32, #tpu.memory_space<hbm>>) dst(%dma_wait3A_591 : memref<104x128xf32, #tpu.memory_space<vmem>>)
      %dma_wait3A_597 = arith.constant 104 : i32
      %dma_wait3A_598 = arith.constant 0 : i32
      %dma_wait3A_599 = tpu.memref_slice %arg10[%dma_wait3A_597, %dma_wait3A_598] : memref<200x128xf32, #tpu.memory_space<vmem>> -> memref<96x128xf32, #tpu.memory_space<vmem>>
      %dma_wait3A_600 = arith.constant 104 : i32
      %dma_wait3A_601 = tpu.memref_slice %arg6[%dma_wait3A_600] : memref<200xi32, #tpu.memory_space<vmem>> -> memref<96xi32, #tpu.memory_space<vmem>>
      %dma_wait3A_602 = arith.constant 0 : i32
      %dma_wait3A_603 = arith.constant 0 : i32
      %dma_wait3A_604 = tpu.memref_slice %arg3[%dma_wait3A_602, %dma_wait3A_603] : memref<100000x128xf32, #tpu.memory_space<hbm>> -> memref<100000x128xf32, #tpu.memory_space<hbm>>
      tpu.wait_indirect_dma semaphore(%arg18 : memref<!tpu.dma_semaphore, #tpu.memory_space<semaphore_mem>>) src(%dma_wait3A_604 : memref<100000x128xf32, #tpu.memory_space<hbm>>) dst(%dma_wait3A_599 : memref<96x128xf32, #tpu.memory_space<vmem>>)
      %add3A_605 = arith.constant 4 : i32
      %add3A_606 = arith.addi %add3A_588, %add3A_605 : i32
      %add3A_607 = arith.addi %mul3A_2, %add3A_606 : i32
      %dma_start3A_608 = arith.constant 0 : i32
      %dma_start3A_609 = tpu.memref_slice %arg2[%add3A_607, %dma_start3A_608] : memref<4096x200xi32, #tpu.memory_space<hbm>> -> memref<1x200xi32, #tpu.memory_space<hbm>>
      %dma_start3A_610 = tpu.memref_squeeze %dma_start3A_609 : memref<1x200xi32, #tpu.memory_space<hbm>> -> memref<200xi32, #tpu.memory_space<hbm>>
      %dma_start3A_611 = arith.constant 0 : i32
      %dma_start3A_612 = tpu.memref_slice %arg2[%add3A_607, %dma_start3A_611] : memref<4096x200xi32, #tpu.memory_space<hbm>> -> memref<1x200xi32, #tpu.memory_space<hbm>>
      %dma_start3A_613 = tpu.memref_squeeze %dma_start3A_612 : memref<1x200xi32, #tpu.memory_space<hbm>> -> memref<200xi32, #tpu.memory_space<hbm>>
      tpu.enqueue_dma source(%dma_start3A_613 : memref<200xi32, #tpu.memory_space<hbm>>) target(%arg6 : memref<200xi32, #tpu.memory_space<vmem>>) target_semaphore(%arg14 : memref<!tpu.dma_semaphore, #tpu.memory_space<semaphore_mem>>)
      %dma_wait3A_614 = arith.constant 0 : i32
      %dma_wait3A_615 = tpu.memref_slice %arg2[%mul3A_2, %dma_wait3A_614] : memref<4096x200xi32, #tpu.memory_space<hbm>> -> memref<1x200xi32, #tpu.memory_space<hbm>>
      %dma_wait3A_616 = tpu.memref_squeeze %dma_wait3A_615 : memref<1x200xi32, #tpu.memory_space<hbm>> -> memref<200xi32, #tpu.memory_space<hbm>>
      %dma_wait3A_617 = arith.constant 0 : i32
      %dma_wait3A_618 = tpu.memref_slice %arg2[%mul3A_2, %dma_wait3A_617] : memref<4096x200xi32, #tpu.memory_space<hbm>> -> memref<1x200xi32, #tpu.memory_space<hbm>>
      %dma_wait3A_619 = tpu.memref_squeeze %dma_wait3A_618 : memref<1x200xi32, #tpu.memory_space<hbm>> -> memref<200xi32, #tpu.memory_space<hbm>>
      tpu.wait_dma2 semaphore(%arg13 : memref<!tpu.dma_semaphore, #tpu.memory_space<semaphore_mem>>) src(%dma_wait3A_619 : memref<200xi32, #tpu.memory_space<hbm>>) dst(%arg5 : memref<200xi32, #tpu.memory_space<vmem>>)
      %dma_wait3A_620 = arith.constant 0 : i32
      %dma_wait3A_621 = arith.constant 0 : i32
      %dma_wait3A_622 = tpu.memref_slice %arg4[%mul3A_2, %dma_wait3A_620, %dma_wait3A_621] : memref<4096x200x128xf32, #tpu.memory_space<hbm>> -> memref<1x200x128xf32, #tpu.memory_space<hbm>>
      %dma_wait3A_623 = tpu.memref_squeeze %dma_wait3A_622 : memref<1x200x128xf32, #tpu.memory_space<hbm>> -> memref<200x128xf32, #tpu.memory_space<hbm>>
      %dma_wait3A_624 = arith.constant 0 : i32
      %dma_wait3A_625 = arith.constant 0 : i32
      %dma_wait3A_626 = tpu.memref_slice %arg4[%mul3A_2, %dma_wait3A_624, %dma_wait3A_625] : memref<4096x200x128xf32, #tpu.memory_space<hbm>> -> memref<1x200x128xf32, #tpu.memory_space<hbm>>
      %dma_wait3A_627 = tpu.memref_squeeze %dma_wait3A_626 : memref<1x200x128xf32, #tpu.memory_space<hbm>> -> memref<200x128xf32, #tpu.memory_space<hbm>>
      tpu.wait_dma2 semaphore(%arg21 : memref<!tpu.dma_semaphore, #tpu.memory_space<semaphore_mem>>) src(%arg9 : memref<200x128xf32, #tpu.memory_space<vmem>>) dst(%dma_wait3A_627 : memref<200x128xf32, #tpu.memory_space<hbm>>)
      %dma_start3A_628 = arith.constant 0 : i32
      %dma_start3A_629 = arith.constant 0 : i32
      %dma_start3A_630 = tpu.memref_slice %arg9[%dma_start3A_628, %dma_start3A_629] : memref<200x128xf32, #tpu.memory_space<vmem>> -> memref<104x128xf32, #tpu.memory_space<vmem>>
      %dma_start3A_631 = arith.constant 0 : i32
      %dma_start3A_632 = tpu.memref_slice %arg5[%dma_start3A_631] : memref<200xi32, #tpu.memory_space<vmem>> -> memref<104xi32, #tpu.memory_space<vmem>>
      %dma_start3A_633 = arith.constant 0 : i32
      %dma_start3A_634 = arith.constant 0 : i32
      %dma_start3A_635 = tpu.memref_slice %arg3[%dma_start3A_633, %dma_start3A_634] : memref<100000x128xf32, #tpu.memory_space<hbm>> -> memref<100000x128xf32, #tpu.memory_space<hbm>>
      tpu.enqueue_indirect_dma source(%dma_start3A_635 : memref<100000x128xf32, #tpu.memory_space<hbm>>) target(%dma_start3A_630 : memref<104x128xf32, #tpu.memory_space<vmem>>) offsets(%dma_start3A_632 : memref<104xi32, #tpu.memory_space<vmem>>) semaphore(%arg17 : memref<!tpu.dma_semaphore, #tpu.memory_space<semaphore_mem>>)
      %dma_start3A_636 = arith.constant 104 : i32
      %dma_start3A_637 = arith.constant 0 : i32
      %dma_start3A_638 = tpu.memref_slice %arg9[%dma_start3A_636, %dma_start3A_637] : memref<200x128xf32, #tpu.memory_space<vmem>> -> memref<96x128xf32, #tpu.memory_space<vmem>>
      %dma_start3A_639 = arith.constant 104 : i32
      %dma_start3A_640 = tpu.memref_slice %arg5[%dma_start3A_639] : memref<200xi32, #tpu.memory_space<vmem>> -> memref<96xi32, #tpu.memory_space<vmem>>
      %dma_start3A_641 = arith.constant 0 : i32
      %dma_start3A_642 = arith.constant 0 : i32
      %dma_start3A_643 = tpu.memref_slice %arg3[%dma_start3A_641, %dma_start3A_642] : memref<100000x128xf32, #tpu.memory_space<hbm>> -> memref<100000x128xf32, #tpu.memory_space<hbm>>
      tpu.enqueue_indirect_dma source(%dma_start3A_643 : memref<100000x128xf32, #tpu.memory_space<hbm>>) target(%dma_start3A_638 : memref<96x128xf32, #tpu.memory_space<vmem>>) offsets(%dma_start3A_640 : memref<96xi32, #tpu.memory_space<vmem>>) semaphore(%arg17 : memref<!tpu.dma_semaphore, #tpu.memory_space<semaphore_mem>>)
      %add3A_644 = arith.addi %mul3A_2, %add3A_588 : i32
      %dma_start3A_645 = arith.constant 0 : i32
      %dma_start3A_646 = arith.constant 0 : i32
      %dma_start3A_647 = tpu.memref_slice %arg4[%add3A_644, %dma_start3A_645, %dma_start3A_646] : memref<4096x200x128xf32, #tpu.memory_space<hbm>> -> memref<1x200x128xf32, #tpu.memory_space<hbm>>
      %dma_start3A_648 = tpu.memref_squeeze %dma_start3A_647 : memref<1x200x128xf32, #tpu.memory_space<hbm>> -> memref<200x128xf32, #tpu.memory_space<hbm>>
      %dma_start3A_649 = arith.constant 0 : i32
      %dma_start3A_650 = arith.constant 0 : i32
      %dma_start3A_651 = tpu.memref_slice %arg4[%add3A_644, %dma_start3A_649, %dma_start3A_650] : memref<4096x200x128xf32, #tpu.memory_space<hbm>> -> memref<1x200x128xf32, #tpu.memory_space<hbm>>
      %dma_start3A_652 = tpu.memref_squeeze %dma_start3A_651 : memref<1x200x128xf32, #tpu.memory_space<hbm>> -> memref<200x128xf32, #tpu.memory_space<hbm>>
      tpu.enqueue_dma source(%arg10 : memref<200x128xf32, #tpu.memory_space<vmem>>) target(%dma_start3A_652 : memref<200x128xf32, #tpu.memory_space<hbm>>) target_semaphore(%arg22 : memref<!tpu.dma_semaphore, #tpu.memory_space<semaphore_mem>>)
      %add3A_653 = arith.constant 2 : i32
      %add3A_654 = arith.addi %mul3A_520, %add3A_653 : i32
      %dma_wait3A_655 = arith.constant 0 : i32
      %dma_wait3A_656 = arith.constant 0 : i32
      %dma_wait3A_657 = tpu.memref_slice %arg11[%dma_wait3A_655, %dma_wait3A_656] : memref<200x128xf32, #tpu.memory_space<vmem>> -> memref<104x128xf32, #tpu.memory_space<vmem>>
      %dma_wait3A_658 = arith.constant 0 : i32
      %dma_wait3A_659 = tpu.memref_slice %arg7[%dma_wait3A_658] : memref<200xi32, #tpu.memory_space<vmem>> -> memref<104xi32, #tpu.memory_space<vmem>>
      %dma_wait3A_660 = arith.constant 0 : i32
      %dma_wait3A_661 = arith.constant 0 : i32
      %dma_wait3A_662 = tpu.memref_slice %arg3[%dma_wait3A_660, %dma_wait3A_661] : memref<100000x128xf32, #tpu.memory_space<hbm>> -> memref<100000x128xf32, #tpu.memory_space<hbm>>
      tpu.wait_indirect_dma semaphore(%arg19 : memref<!tpu.dma_semaphore, #tpu.memory_space<semaphore_mem>>) src(%dma_wait3A_662 : memref<100000x128xf32, #tpu.memory_space<hbm>>) dst(%dma_wait3A_657 : memref<104x128xf32, #tpu.memory_space<vmem>>)
      %dma_wait3A_663 = arith.constant 104 : i32
      %dma_wait3A_664 = arith.constant 0 : i32
      %dma_wait3A_665 = tpu.memref_slice %arg11[%dma_wait3A_663, %dma_wait3A_664] : memref<200x128xf32, #tpu.memory_space<vmem>> -> memref<96x128xf32, #tpu.memory_space<vmem>>
      %dma_wait3A_666 = arith.constant 104 : i32
      %dma_wait3A_667 = tpu.memref_slice %arg7[%dma_wait3A_666] : memref<200xi32, #tpu.memory_space<vmem>> -> memref<96xi32, #tpu.memory_space<vmem>>
      %dma_wait3A_668 = arith.constant 0 : i32
      %dma_wait3A_669 = arith.constant 0 : i32
      %dma_wait3A_670 = tpu.memref_slice %arg3[%dma_wait3A_668, %dma_wait3A_669] : memref<100000x128xf32, #tpu.memory_space<hbm>> -> memref<100000x128xf32, #tpu.memory_space<hbm>>
      tpu.wait_indirect_dma semaphore(%arg19 : memref<!tpu.dma_semaphore, #tpu.memory_space<semaphore_mem>>) src(%dma_wait3A_670 : memref<100000x128xf32, #tpu.memory_space<hbm>>) dst(%dma_wait3A_665 : memref<96x128xf32, #tpu.memory_space<vmem>>)
      %add3A_671 = arith.constant 4 : i32
      %add3A_672 = arith.addi %add3A_654, %add3A_671 : i32
      %add3A_673 = arith.addi %mul3A_2, %add3A_672 : i32
      %dma_start3A_674 = arith.constant 0 : i32
      %dma_start3A_675 = tpu.memref_slice %arg2[%add3A_673, %dma_start3A_674] : memref<4096x200xi32, #tpu.memory_space<hbm>> -> memref<1x200xi32, #tpu.memory_space<hbm>>
      %dma_start3A_676 = tpu.memref_squeeze %dma_start3A_675 : memref<1x200xi32, #tpu.memory_space<hbm>> -> memref<200xi32, #tpu.memory_space<hbm>>
      %dma_start3A_677 = arith.constant 0 : i32
      %dma_start3A_678 = tpu.memref_slice %arg2[%add3A_673, %dma_start3A_677] : memref<4096x200xi32, #tpu.memory_space<hbm>> -> memref<1x200xi32, #tpu.memory_space<hbm>>
      %dma_start3A_679 = tpu.memref_squeeze %dma_start3A_678 : memref<1x200xi32, #tpu.memory_space<hbm>> -> memref<200xi32, #tpu.memory_space<hbm>>
      tpu.enqueue_dma source(%dma_start3A_679 : memref<200xi32, #tpu.memory_space<hbm>>) target(%arg7 : memref<200xi32, #tpu.memory_space<vmem>>) target_semaphore(%arg15 : memref<!tpu.dma_semaphore, #tpu.memory_space<semaphore_mem>>)
      %dma_wait3A_680 = arith.constant 0 : i32
      %dma_wait3A_681 = tpu.memref_slice %arg2[%mul3A_2, %dma_wait3A_680] : memref<4096x200xi32, #tpu.memory_space<hbm>> -> memref<1x200xi32, #tpu.memory_space<hbm>>
      %dma_wait3A_682 = tpu.memref_squeeze %dma_wait3A_681 : memref<1x200xi32, #tpu.memory_space<hbm>> -> memref<200xi32, #tpu.memory_space<hbm>>
      %dma_wait3A_683 = arith.constant 0 : i32
      %dma_wait3A_684 = tpu.memref_slice %arg2[%mul3A_2, %dma_wait3A_683] : memref<4096x200xi32, #tpu.memory_space<hbm>> -> memref<1x200xi32, #tpu.memory_space<hbm>>
      %dma_wait3A_685 = tpu.memref_squeeze %dma_wait3A_684 : memref<1x200xi32, #tpu.memory_space<hbm>> -> memref<200xi32, #tpu.memory_space<hbm>>
      tpu.wait_dma2 semaphore(%arg14 : memref<!tpu.dma_semaphore, #tpu.memory_space<semaphore_mem>>) src(%dma_wait3A_685 : memref<200xi32, #tpu.memory_space<hbm>>) dst(%arg6 : memref<200xi32, #tpu.memory_space<vmem>>)
      %dma_wait3A_686 = arith.constant 0 : i32
      %dma_wait3A_687 = arith.constant 0 : i32
      %dma_wait3A_688 = tpu.memref_slice %arg4[%mul3A_2, %dma_wait3A_686, %dma_wait3A_687] : memref<4096x200x128xf32, #tpu.memory_space<hbm>> -> memref<1x200x128xf32, #tpu.memory_space<hbm>>
      %dma_wait3A_689 = tpu.memref_squeeze %dma_wait3A_688 : memref<1x200x128xf32, #tpu.memory_space<hbm>> -> memref<200x128xf32, #tpu.memory_space<hbm>>
      %dma_wait3A_690 = arith.constant 0 : i32
      %dma_wait3A_691 = arith.constant 0 : i32
      %dma_wait3A_692 = tpu.memref_slice %arg4[%mul3A_2, %dma_wait3A_690, %dma_wait3A_691] : memref<4096x200x128xf32, #tpu.memory_space<hbm>> -> memref<1x200x128xf32, #tpu.memory_space<hbm>>
      %dma_wait3A_693 = tpu.memref_squeeze %dma_wait3A_692 : memref<1x200x128xf32, #tpu.memory_space<hbm>> -> memref<200x128xf32, #tpu.memory_space<hbm>>
      tpu.wait_dma2 semaphore(%arg22 : memref<!tpu.dma_semaphore, #tpu.memory_space<semaphore_mem>>) src(%arg10 : memref<200x128xf32, #tpu.memory_space<vmem>>) dst(%dma_wait3A_693 : memref<200x128xf32, #tpu.memory_space<hbm>>)
      %dma_start3A_694 = arith.constant 0 : i32
      %dma_start3A_695 = arith.constant 0 : i32
      %dma_start3A_696 = tpu.memref_slice %arg10[%dma_start3A_694, %dma_start3A_695] : memref<200x128xf32, #tpu.memory_space<vmem>> -> memref<104x128xf32, #tpu.memory_space<vmem>>
      %dma_start3A_697 = arith.constant 0 : i32
      %dma_start3A_698 = tpu.memref_slice %arg6[%dma_start3A_697] : memref<200xi32, #tpu.memory_space<vmem>> -> memref<104xi32, #tpu.memory_space<vmem>>
      %dma_start3A_699 = arith.constant 0 : i32
      %dma_start3A_700 = arith.constant 0 : i32
      %dma_start3A_701 = tpu.memref_slice %arg3[%dma_start3A_699, %dma_start3A_700] : memref<100000x128xf32, #tpu.memory_space<hbm>> -> memref<100000x128xf32, #tpu.memory_space<hbm>>
      tpu.enqueue_indirect_dma source(%dma_start3A_701 : memref<100000x128xf32, #tpu.memory_space<hbm>>) target(%dma_start3A_696 : memref<104x128xf32, #tpu.memory_space<vmem>>) offsets(%dma_start3A_698 : memref<104xi32, #tpu.memory_space<vmem>>) semaphore(%arg18 : memref<!tpu.dma_semaphore, #tpu.memory_space<semaphore_mem>>)
      %dma_start3A_702 = arith.constant 104 : i32
      %dma_start3A_703 = arith.constant 0 : i32
      %dma_start3A_704 = tpu.memref_slice %arg10[%dma_start3A_702, %dma_start3A_703] : memref<200x128xf32, #tpu.memory_space<vmem>> -> memref<96x128xf32, #tpu.memory_space<vmem>>
      %dma_start3A_705 = arith.constant 104 : i32
      %dma_start3A_706 = tpu.memref_slice %arg6[%dma_start3A_705] : memref<200xi32, #tpu.memory_space<vmem>> -> memref<96xi32, #tpu.memory_space<vmem>>
      %dma_start3A_707 = arith.constant 0 : i32
      %dma_start3A_708 = arith.constant 0 : i32
      %dma_start3A_709 = tpu.memref_slice %arg3[%dma_start3A_707, %dma_start3A_708] : memref<100000x128xf32, #tpu.memory_space<hbm>> -> memref<100000x128xf32, #tpu.memory_space<hbm>>
      tpu.enqueue_indirect_dma source(%dma_start3A_709 : memref<100000x128xf32, #tpu.memory_space<hbm>>) target(%dma_start3A_704 : memref<96x128xf32, #tpu.memory_space<vmem>>) offsets(%dma_start3A_706 : memref<96xi32, #tpu.memory_space<vmem>>) semaphore(%arg18 : memref<!tpu.dma_semaphore, #tpu.memory_space<semaphore_mem>>)
      %add3A_710 = arith.addi %mul3A_2, %add3A_654 : i32
      %dma_start3A_711 = arith.constant 0 : i32
      %dma_start3A_712 = arith.constant 0 : i32
      %dma_start3A_713 = tpu.memref_slice %arg4[%add3A_710, %dma_start3A_711, %dma_start3A_712] : memref<4096x200x128xf32, #tpu.memory_space<hbm>> -> memref<1x200x128xf32, #tpu.memory_space<hbm>>
      %dma_start3A_714 = tpu.memref_squeeze %dma_start3A_713 : memref<1x200x128xf32, #tpu.memory_space<hbm>> -> memref<200x128xf32, #tpu.memory_space<hbm>>
      %dma_start3A_715 = arith.constant 0 : i32
      %dma_start3A_716 = arith.constant 0 : i32
      %dma_start3A_717 = tpu.memref_slice %arg4[%add3A_710, %dma_start3A_715, %dma_start3A_716] : memref<4096x200x128xf32, #tpu.memory_space<hbm>> -> memref<1x200x128xf32, #tpu.memory_space<hbm>>
      %dma_start3A_718 = tpu.memref_squeeze %dma_start3A_717 : memref<1x200x128xf32, #tpu.memory_space<hbm>> -> memref<200x128xf32, #tpu.memory_space<hbm>>
      tpu.enqueue_dma source(%arg11 : memref<200x128xf32, #tpu.memory_space<vmem>>) target(%dma_start3A_718 : memref<200x128xf32, #tpu.memory_space<hbm>>) target_semaphore(%arg23 : memref<!tpu.dma_semaphore, #tpu.memory_space<semaphore_mem>>)
      %add3A_719 = arith.constant 3 : i32
      %add3A_720 = arith.addi %mul3A_520, %add3A_719 : i32
      %dma_wait3A_721 = arith.constant 0 : i32
      %dma_wait3A_722 = arith.constant 0 : i32
      %dma_wait3A_723 = tpu.memref_slice %arg12[%dma_wait3A_721, %dma_wait3A_722] : memref<200x128xf32, #tpu.memory_space<vmem>> -> memref<104x128xf32, #tpu.memory_space<vmem>>
      %dma_wait3A_724 = arith.constant 0 : i32
      %dma_wait3A_725 = tpu.memref_slice %arg8[%dma_wait3A_724] : memref<200xi32, #tpu.memory_space<vmem>> -> memref<104xi32, #tpu.memory_space<vmem>>
      %dma_wait3A_726 = arith.constant 0 : i32
      %dma_wait3A_727 = arith.constant 0 : i32
      %dma_wait3A_728 = tpu.memref_slice %arg3[%dma_wait3A_726, %dma_wait3A_727] : memref<100000x128xf32, #tpu.memory_space<hbm>> -> memref<100000x128xf32, #tpu.memory_space<hbm>>
      tpu.wait_indirect_dma semaphore(%arg20 : memref<!tpu.dma_semaphore, #tpu.memory_space<semaphore_mem>>) src(%dma_wait3A_728 : memref<100000x128xf32, #tpu.memory_space<hbm>>) dst(%dma_wait3A_723 : memref<104x128xf32, #tpu.memory_space<vmem>>)
      %dma_wait3A_729 = arith.constant 104 : i32
      %dma_wait3A_730 = arith.constant 0 : i32
      %dma_wait3A_731 = tpu.memref_slice %arg12[%dma_wait3A_729, %dma_wait3A_730] : memref<200x128xf32, #tpu.memory_space<vmem>> -> memref<96x128xf32, #tpu.memory_space<vmem>>
      %dma_wait3A_732 = arith.constant 104 : i32
      %dma_wait3A_733 = tpu.memref_slice %arg8[%dma_wait3A_732] : memref<200xi32, #tpu.memory_space<vmem>> -> memref<96xi32, #tpu.memory_space<vmem>>
      %dma_wait3A_734 = arith.constant 0 : i32
      %dma_wait3A_735 = arith.constant 0 : i32
      %dma_wait3A_736 = tpu.memref_slice %arg3[%dma_wait3A_734, %dma_wait3A_735] : memref<100000x128xf32, #tpu.memory_space<hbm>> -> memref<100000x128xf32, #tpu.memory_space<hbm>>
      tpu.wait_indirect_dma semaphore(%arg20 : memref<!tpu.dma_semaphore, #tpu.memory_space<semaphore_mem>>) src(%dma_wait3A_736 : memref<100000x128xf32, #tpu.memory_space<hbm>>) dst(%dma_wait3A_731 : memref<96x128xf32, #tpu.memory_space<vmem>>)
      %add3A_737 = arith.constant 4 : i32
      %add3A_738 = arith.addi %add3A_720, %add3A_737 : i32
      %add3A_739 = arith.addi %mul3A_2, %add3A_738 : i32
      %dma_start3A_740 = arith.constant 0 : i32
      %dma_start3A_741 = tpu.memref_slice %arg2[%add3A_739, %dma_start3A_740] : memref<4096x200xi32, #tpu.memory_space<hbm>> -> memref<1x200xi32, #tpu.memory_space<hbm>>
      %dma_start3A_742 = tpu.memref_squeeze %dma_start3A_741 : memref<1x200xi32, #tpu.memory_space<hbm>> -> memref<200xi32, #tpu.memory_space<hbm>>
      %dma_start3A_743 = arith.constant 0 : i32
      %dma_start3A_744 = tpu.memref_slice %arg2[%add3A_739, %dma_start3A_743] : memref<4096x200xi32, #tpu.memory_space<hbm>> -> memref<1x200xi32, #tpu.memory_space<hbm>>
      %dma_start3A_745 = tpu.memref_squeeze %dma_start3A_744 : memref<1x200xi32, #tpu.memory_space<hbm>> -> memref<200xi32, #tpu.memory_space<hbm>>
      tpu.enqueue_dma source(%dma_start3A_745 : memref<200xi32, #tpu.memory_space<hbm>>) target(%arg8 : memref<200xi32, #tpu.memory_space<vmem>>) target_semaphore(%arg16 : memref<!tpu.dma_semaphore, #tpu.memory_space<semaphore_mem>>)
      %dma_wait3A_746 = arith.constant 0 : i32
      %dma_wait3A_747 = tpu.memref_slice %arg2[%mul3A_2, %dma_wait3A_746] : memref<4096x200xi32, #tpu.memory_space<hbm>> -> memref<1x200xi32, #tpu.memory_space<hbm>>
      %dma_wait3A_748 = tpu.memref_squeeze %dma_wait3A_747 : memref<1x200xi32, #tpu.memory_space<hbm>> -> memref<200xi32, #tpu.memory_space<hbm>>
      %dma_wait3A_749 = arith.constant 0 : i32
      %dma_wait3A_750 = tpu.memref_slice %arg2[%mul3A_2, %dma_wait3A_749] : memref<4096x200xi32, #tpu.memory_space<hbm>> -> memref<1x200xi32, #tpu.memory_space<hbm>>
      %dma_wait3A_751 = tpu.memref_squeeze %dma_wait3A_750 : memref<1x200xi32, #tpu.memory_space<hbm>> -> memref<200xi32, #tpu.memory_space<hbm>>
      tpu.wait_dma2 semaphore(%arg15 : memref<!tpu.dma_semaphore, #tpu.memory_space<semaphore_mem>>) src(%dma_wait3A_751 : memref<200xi32, #tpu.memory_space<hbm>>) dst(%arg7 : memref<200xi32, #tpu.memory_space<vmem>>)
      %dma_wait3A_752 = arith.constant 0 : i32
      %dma_wait3A_753 = arith.constant 0 : i32
      %dma_wait3A_754 = tpu.memref_slice %arg4[%mul3A_2, %dma_wait3A_752, %dma_wait3A_753] : memref<4096x200x128xf32, #tpu.memory_space<hbm>> -> memref<1x200x128xf32, #tpu.memory_space<hbm>>
      %dma_wait3A_755 = tpu.memref_squeeze %dma_wait3A_754 : memref<1x200x128xf32, #tpu.memory_space<hbm>> -> memref<200x128xf32, #tpu.memory_space<hbm>>
      %dma_wait3A_756 = arith.constant 0 : i32
      %dma_wait3A_757 = arith.constant 0 : i32
      %dma_wait3A_758 = tpu.memref_slice %arg4[%mul3A_2, %dma_wait3A_756, %dma_wait3A_757] : memref<4096x200x128xf32, #tpu.memory_space<hbm>> -> memref<1x200x128xf32, #tpu.memory_space<hbm>>
      %dma_wait3A_759 = tpu.memref_squeeze %dma_wait3A_758 : memref<1x200x128xf32, #tpu.memory_space<hbm>> -> memref<200x128xf32, #tpu.memory_space<hbm>>
      tpu.wait_dma2 semaphore(%arg23 : memref<!tpu.dma_semaphore, #tpu.memory_space<semaphore_mem>>) src(%arg11 : memref<200x128xf32, #tpu.memory_space<vmem>>) dst(%dma_wait3A_759 : memref<200x128xf32, #tpu.memory_space<hbm>>)
      %dma_start3A_760 = arith.constant 0 : i32
      %dma_start3A_761 = arith.constant 0 : i32
      %dma_start3A_762 = tpu.memref_slice %arg11[%dma_start3A_760, %dma_start3A_761] : memref<200x128xf32, #tpu.memory_space<vmem>> -> memref<104x128xf32, #tpu.memory_space<vmem>>
      %dma_start3A_763 = arith.constant 0 : i32
      %dma_start3A_764 = tpu.memref_slice %arg7[%dma_start3A_763] : memref<200xi32, #tpu.memory_space<vmem>> -> memref<104xi32, #tpu.memory_space<vmem>>
      %dma_start3A_765 = arith.constant 0 : i32
      %dma_start3A_766 = arith.constant 0 : i32
      %dma_start3A_767 = tpu.memref_slice %arg3[%dma_start3A_765, %dma_start3A_766] : memref<100000x128xf32, #tpu.memory_space<hbm>> -> memref<100000x128xf32, #tpu.memory_space<hbm>>
      tpu.enqueue_indirect_dma source(%dma_start3A_767 : memref<100000x128xf32, #tpu.memory_space<hbm>>) target(%dma_start3A_762 : memref<104x128xf32, #tpu.memory_space<vmem>>) offsets(%dma_start3A_764 : memref<104xi32, #tpu.memory_space<vmem>>) semaphore(%arg19 : memref<!tpu.dma_semaphore, #tpu.memory_space<semaphore_mem>>)
      %dma_start3A_768 = arith.constant 104 : i32
      %dma_start3A_769 = arith.constant 0 : i32
      %dma_start3A_770 = tpu.memref_slice %arg11[%dma_start3A_768, %dma_start3A_769] : memref<200x128xf32, #tpu.memory_space<vmem>> -> memref<96x128xf32, #tpu.memory_space<vmem>>
      %dma_start3A_771 = arith.constant 104 : i32
      %dma_start3A_772 = tpu.memref_slice %arg7[%dma_start3A_771] : memref<200xi32, #tpu.memory_space<vmem>> -> memref<96xi32, #tpu.memory_space<vmem>>
      %dma_start3A_773 = arith.constant 0 : i32
      %dma_start3A_774 = arith.constant 0 : i32
      %dma_start3A_775 = tpu.memref_slice %arg3[%dma_start3A_773, %dma_start3A_774] : memref<100000x128xf32, #tpu.memory_space<hbm>> -> memref<100000x128xf32, #tpu.memory_space<hbm>>
      tpu.enqueue_indirect_dma source(%dma_start3A_775 : memref<100000x128xf32, #tpu.memory_space<hbm>>) target(%dma_start3A_770 : memref<96x128xf32, #tpu.memory_space<vmem>>) offsets(%dma_start3A_772 : memref<96xi32, #tpu.memory_space<vmem>>) semaphore(%arg19 : memref<!tpu.dma_semaphore, #tpu.memory_space<semaphore_mem>>)
      %add3A_776 = arith.addi %mul3A_2, %add3A_720 : i32
      %dma_start3A_777 = arith.constant 0 : i32
      %dma_start3A_778 = arith.constant 0 : i32
      %dma_start3A_779 = tpu.memref_slice %arg4[%add3A_776, %dma_start3A_777, %dma_start3A_778] : memref<4096x200x128xf32, #tpu.memory_space<hbm>> -> memref<1x200x128xf32, #tpu.memory_space<hbm>>
      %dma_start3A_780 = tpu.memref_squeeze %dma_start3A_779 : memref<1x200x128xf32, #tpu.memory_space<hbm>> -> memref<200x128xf32, #tpu.memory_space<hbm>>
      %dma_start3A_781 = arith.constant 0 : i32
      %dma_start3A_782 = arith.constant 0 : i32
      %dma_start3A_783 = tpu.memref_slice %arg4[%add3A_776, %dma_start3A_781, %dma_start3A_782] : memref<4096x200x128xf32, #tpu.memory_space<hbm>> -> memref<1x200x128xf32, #tpu.memory_space<hbm>>
      %dma_start3A_784 = tpu.memref_squeeze %dma_start3A_783 : memref<1x200x128xf32, #tpu.memory_space<hbm>> -> memref<200x128xf32, #tpu.memory_space<hbm>>
      tpu.enqueue_dma source(%arg12 : memref<200x128xf32, #tpu.memory_space<vmem>>) target(%dma_start3A_784 : memref<200x128xf32, #tpu.memory_space<hbm>>) target_semaphore(%arg24 : memref<!tpu.dma_semaphore, #tpu.memory_space<semaphore_mem>>)
    }
    %scan3A_351 = arith.constant 30 : i32
    %dma_wait3A_352 = arith.constant 0 : i32
    %dma_wait3A_353 = arith.constant 0 : i32
    %dma_wait3A_354 = tpu.memref_slice %arg9[%dma_wait3A_352, %dma_wait3A_353] : memref<200x128xf32, #tpu.memory_space<vmem>> -> memref<104x128xf32, #tpu.memory_space<vmem>>
    %dma_wait3A_355 = arith.constant 0 : i32
    %dma_wait3A_356 = tpu.memref_slice %arg5[%dma_wait3A_355] : memref<200xi32, #tpu.memory_space<vmem>> -> memref<104xi32, #tpu.memory_space<vmem>>
    %dma_wait3A_357 = arith.constant 0 : i32
    %dma_wait3A_358 = arith.constant 0 : i32
    %dma_wait3A_359 = tpu.memref_slice %arg3[%dma_wait3A_357, %dma_wait3A_358] : memref<100000x128xf32, #tpu.memory_space<hbm>> -> memref<100000x128xf32, #tpu.memory_space<hbm>>
    tpu.wait_indirect_dma semaphore(%arg17 : memref<!tpu.dma_semaphore, #tpu.memory_space<semaphore_mem>>) src(%dma_wait3A_359 : memref<100000x128xf32, #tpu.memory_space<hbm>>) dst(%dma_wait3A_354 : memref<104x128xf32, #tpu.memory_space<vmem>>)
    %dma_wait3A_360 = arith.constant 104 : i32
    %dma_wait3A_361 = arith.constant 0 : i32
    %dma_wait3A_362 = tpu.memref_slice %arg9[%dma_wait3A_360, %dma_wait3A_361] : memref<200x128xf32, #tpu.memory_space<vmem>> -> memref<96x128xf32, #tpu.memory_space<vmem>>
    %dma_wait3A_363 = arith.constant 104 : i32
    %dma_wait3A_364 = tpu.memref_slice %arg5[%dma_wait3A_363] : memref<200xi32, #tpu.memory_space<vmem>> -> memref<96xi32, #tpu.memory_space<vmem>>
    %dma_wait3A_365 = arith.constant 0 : i32
    %dma_wait3A_366 = arith.constant 0 : i32
    %dma_wait3A_367 = tpu.memref_slice %arg3[%dma_wait3A_365, %dma_wait3A_366] : memref<100000x128xf32, #tpu.memory_space<hbm>> -> memref<100000x128xf32, #tpu.memory_space<hbm>>
    tpu.wait_indirect_dma semaphore(%arg17 : memref<!tpu.dma_semaphore, #tpu.memory_space<semaphore_mem>>) src(%dma_wait3A_367 : memref<100000x128xf32, #tpu.memory_space<hbm>>) dst(%dma_wait3A_362 : memref<96x128xf32, #tpu.memory_space<vmem>>)
    %dma_wait3A_368 = arith.constant 0 : i32
    %dma_wait3A_369 = tpu.memref_slice %arg2[%mul3A_2, %dma_wait3A_368] : memref<4096x200xi32, #tpu.memory_space<hbm>> -> memref<1x200xi32, #tpu.memory_space<hbm>>
    %dma_wait3A_370 = tpu.memref_squeeze %dma_wait3A_369 : memref<1x200xi32, #tpu.memory_space<hbm>> -> memref<200xi32, #tpu.memory_space<hbm>>
    %dma_wait3A_371 = arith.constant 0 : i32
    %dma_wait3A_372 = tpu.memref_slice %arg2[%mul3A_2, %dma_wait3A_371] : memref<4096x200xi32, #tpu.memory_space<hbm>> -> memref<1x200xi32, #tpu.memory_space<hbm>>
    %dma_wait3A_373 = tpu.memref_squeeze %dma_wait3A_372 : memref<1x200xi32, #tpu.memory_space<hbm>> -> memref<200xi32, #tpu.memory_space<hbm>>
    tpu.wait_dma2 semaphore(%arg16 : memref<!tpu.dma_semaphore, #tpu.memory_space<semaphore_mem>>) src(%dma_wait3A_373 : memref<200xi32, #tpu.memory_space<hbm>>) dst(%arg8 : memref<200xi32, #tpu.memory_space<vmem>>)
    %dma_wait3A_374 = arith.constant 0 : i32
    %dma_wait3A_375 = arith.constant 0 : i32
    %dma_wait3A_376 = tpu.memref_slice %arg4[%mul3A_2, %dma_wait3A_374, %dma_wait3A_375] : memref<4096x200x128xf32, #tpu.memory_space<hbm>> -> memref<1x200x128xf32, #tpu.memory_space<hbm>>
    %dma_wait3A_377 = tpu.memref_squeeze %dma_wait3A_376 : memref<1x200x128xf32, #tpu.memory_space<hbm>> -> memref<200x128xf32, #tpu.memory_space<hbm>>
    %dma_wait3A_378 = arith.constant 0 : i32
    %dma_wait3A_379 = arith.constant 0 : i32
    %dma_wait3A_380 = tpu.memref_slice %arg4[%mul3A_2, %dma_wait3A_378, %dma_wait3A_379] : memref<4096x200x128xf32, #tpu.memory_space<hbm>> -> memref<1x200x128xf32, #tpu.memory_space<hbm>>
    %dma_wait3A_381 = tpu.memref_squeeze %dma_wait3A_380 : memref<1x200x128xf32, #tpu.memory_space<hbm>> -> memref<200x128xf32, #tpu.memory_space<hbm>>
    tpu.wait_dma2 semaphore(%arg24 : memref<!tpu.dma_semaphore, #tpu.memory_space<semaphore_mem>>) src(%arg12 : memref<200x128xf32, #tpu.memory_space<vmem>>) dst(%dma_wait3A_381 : memref<200x128xf32, #tpu.memory_space<hbm>>)
    %dma_start3A_382 = arith.constant 0 : i32
    %dma_start3A_383 = arith.constant 0 : i32
    %dma_start3A_384 = tpu.memref_slice %arg12[%dma_start3A_382, %dma_start3A_383] : memref<200x128xf32, #tpu.memory_space<vmem>> -> memref<104x128xf32, #tpu.memory_space<vmem>>
    %dma_start3A_385 = arith.constant 0 : i32
    %dma_start3A_386 = tpu.memref_slice %arg8[%dma_start3A_385] : memref<200xi32, #tpu.memory_space<vmem>> -> memref<104xi32, #tpu.memory_space<vmem>>
    %dma_start3A_387 = arith.constant 0 : i32
    %dma_start3A_388 = arith.constant 0 : i32
    %dma_start3A_389 = tpu.memref_slice %arg3[%dma_start3A_387, %dma_start3A_388] : memref<100000x128xf32, #tpu.memory_space<hbm>> -> memref<100000x128xf32, #tpu.memory_space<hbm>>
    tpu.enqueue_indirect_dma source(%dma_start3A_389 : memref<100000x128xf32, #tpu.memory_space<hbm>>) target(%dma_start3A_384 : memref<104x128xf32, #tpu.memory_space<vmem>>) offsets(%dma_start3A_386 : memref<104xi32, #tpu.memory_space<vmem>>) semaphore(%arg20 : memref<!tpu.dma_semaphore, #tpu.memory_space<semaphore_mem>>)
    %dma_start3A_390 = arith.constant 104 : i32
    %dma_start3A_391 = arith.constant 0 : i32
    %dma_start3A_392 = tpu.memref_slice %arg12[%dma_start3A_390, %dma_start3A_391] : memref<200x128xf32, #tpu.memory_space<vmem>> -> memref<96x128xf32, #tpu.memory_space<vmem>>
    %dma_start3A_393 = arith.constant 104 : i32
    %dma_start3A_394 = tpu.memref_slice %arg8[%dma_start3A_393] : memref<200xi32, #tpu.memory_space<vmem>> -> memref<96xi32, #tpu.memory_space<vmem>>
    %dma_start3A_395 = arith.constant 0 : i32
    %dma_start3A_396 = arith.constant 0 : i32
    %dma_start3A_397 = tpu.memref_slice %arg3[%dma_start3A_395, %dma_start3A_396] : memref<100000x128xf32, #tpu.memory_space<hbm>> -> memref<100000x128xf32, #tpu.memory_space<hbm>>
    tpu.enqueue_indirect_dma source(%dma_start3A_397 : memref<100000x128xf32, #tpu.memory_space<hbm>>) target(%dma_start3A_392 : memref<96x128xf32, #tpu.memory_space<vmem>>) offsets(%dma_start3A_394 : memref<96xi32, #tpu.memory_space<vmem>>) semaphore(%arg20 : memref<!tpu.dma_semaphore, #tpu.memory_space<semaphore_mem>>)
    %add3A_398 = arith.constant 124 : i32
    %add3A_399 = arith.addi %mul3A_2, %add3A_398 : i32
    %dma_start3A_400 = arith.constant 0 : i32
    %dma_start3A_401 = arith.constant 0 : i32
    %dma_start3A_402 = tpu.memref_slice %arg4[%add3A_399, %dma_start3A_400, %dma_start3A_401] : memref<4096x200x128xf32, #tpu.memory_space<hbm>> -> memref<1x200x128xf32, #tpu.memory_space<hbm>>
    %dma_start3A_403 = tpu.memref_squeeze %dma_start3A_402 : memref<1x200x128xf32, #tpu.memory_space<hbm>> -> memref<200x128xf32, #tpu.memory_space<hbm>>
    %dma_start3A_404 = arith.constant 0 : i32
    %dma_start3A_405 = arith.constant 0 : i32
    %dma_start3A_406 = tpu.memref_slice %arg4[%add3A_399, %dma_start3A_404, %dma_start3A_405] : memref<4096x200x128xf32, #tpu.memory_space<hbm>> -> memref<1x200x128xf32, #tpu.memory_space<hbm>>
    %dma_start3A_407 = tpu.memref_squeeze %dma_start3A_406 : memref<1x200x128xf32, #tpu.memory_space<hbm>> -> memref<200x128xf32, #tpu.memory_space<hbm>>
    tpu.enqueue_dma source(%arg9 : memref<200x128xf32, #tpu.memory_space<vmem>>) target(%dma_start3A_407 : memref<200x128xf32, #tpu.memory_space<hbm>>) target_semaphore(%arg21 : memref<!tpu.dma_semaphore, #tpu.memory_space<semaphore_mem>>)
    %dma_wait3A_408 = arith.constant 0 : i32
    %dma_wait3A_409 = arith.constant 0 : i32
    %dma_wait3A_410 = tpu.memref_slice %arg10[%dma_wait3A_408, %dma_wait3A_409] : memref<200x128xf32, #tpu.memory_space<vmem>> -> memref<104x128xf32, #tpu.memory_space<vmem>>
    %dma_wait3A_411 = arith.constant 0 : i32
    %dma_wait3A_412 = tpu.memref_slice %arg6[%dma_wait3A_411] : memref<200xi32, #tpu.memory_space<vmem>> -> memref<104xi32, #tpu.memory_space<vmem>>
    %dma_wait3A_413 = arith.constant 0 : i32
    %dma_wait3A_414 = arith.constant 0 : i32
    %dma_wait3A_415 = tpu.memref_slice %arg3[%dma_wait3A_413, %dma_wait3A_414] : memref<100000x128xf32, #tpu.memory_space<hbm>> -> memref<100000x128xf32, #tpu.memory_space<hbm>>
    tpu.wait_indirect_dma semaphore(%arg18 : memref<!tpu.dma_semaphore, #tpu.memory_space<semaphore_mem>>) src(%dma_wait3A_415 : memref<100000x128xf32, #tpu.memory_space<hbm>>) dst(%dma_wait3A_410 : memref<104x128xf32, #tpu.memory_space<vmem>>)
    %dma_wait3A_416 = arith.constant 104 : i32
    %dma_wait3A_417 = arith.constant 0 : i32
    %dma_wait3A_418 = tpu.memref_slice %arg10[%dma_wait3A_416, %dma_wait3A_417] : memref<200x128xf32, #tpu.memory_space<vmem>> -> memref<96x128xf32, #tpu.memory_space<vmem>>
    %dma_wait3A_419 = arith.constant 104 : i32
    %dma_wait3A_420 = tpu.memref_slice %arg6[%dma_wait3A_419] : memref<200xi32, #tpu.memory_space<vmem>> -> memref<96xi32, #tpu.memory_space<vmem>>
    %dma_wait3A_421 = arith.constant 0 : i32
    %dma_wait3A_422 = arith.constant 0 : i32
    %dma_wait3A_423 = tpu.memref_slice %arg3[%dma_wait3A_421, %dma_wait3A_422] : memref<100000x128xf32, #tpu.memory_space<hbm>> -> memref<100000x128xf32, #tpu.memory_space<hbm>>
    tpu.wait_indirect_dma semaphore(%arg18 : memref<!tpu.dma_semaphore, #tpu.memory_space<semaphore_mem>>) src(%dma_wait3A_423 : memref<100000x128xf32, #tpu.memory_space<hbm>>) dst(%dma_wait3A_418 : memref<96x128xf32, #tpu.memory_space<vmem>>)
    %add3A_424 = arith.constant 125 : i32
    %add3A_425 = arith.addi %mul3A_2, %add3A_424 : i32
    %dma_start3A_426 = arith.constant 0 : i32
    %dma_start3A_427 = arith.constant 0 : i32
    %dma_start3A_428 = tpu.memref_slice %arg4[%add3A_425, %dma_start3A_426, %dma_start3A_427] : memref<4096x200x128xf32, #tpu.memory_space<hbm>> -> memref<1x200x128xf32, #tpu.memory_space<hbm>>
    %dma_start3A_429 = tpu.memref_squeeze %dma_start3A_428 : memref<1x200x128xf32, #tpu.memory_space<hbm>> -> memref<200x128xf32, #tpu.memory_space<hbm>>
    %dma_start3A_430 = arith.constant 0 : i32
    %dma_start3A_431 = arith.constant 0 : i32
    %dma_start3A_432 = tpu.memref_slice %arg4[%add3A_425, %dma_start3A_430, %dma_start3A_431] : memref<4096x200x128xf32, #tpu.memory_space<hbm>> -> memref<1x200x128xf32, #tpu.memory_space<hbm>>
    %dma_start3A_433 = tpu.memref_squeeze %dma_start3A_432 : memref<1x200x128xf32, #tpu.memory_space<hbm>> -> memref<200x128xf32, #tpu.memory_space<hbm>>
    tpu.enqueue_dma source(%arg10 : memref<200x128xf32, #tpu.memory_space<vmem>>) target(%dma_start3A_433 : memref<200x128xf32, #tpu.memory_space<hbm>>) target_semaphore(%arg22 : memref<!tpu.dma_semaphore, #tpu.memory_space<semaphore_mem>>)
    %dma_wait3A_434 = arith.constant 0 : i32
    %dma_wait3A_435 = arith.constant 0 : i32
    %dma_wait3A_436 = tpu.memref_slice %arg11[%dma_wait3A_434, %dma_wait3A_435] : memref<200x128xf32, #tpu.memory_space<vmem>> -> memref<104x128xf32, #tpu.memory_space<vmem>>
    %dma_wait3A_437 = arith.constant 0 : i32
    %dma_wait3A_438 = tpu.memref_slice %arg7[%dma_wait3A_437] : memref<200xi32, #tpu.memory_space<vmem>> -> memref<104xi32, #tpu.memory_space<vmem>>
    %dma_wait3A_439 = arith.constant 0 : i32
    %dma_wait3A_440 = arith.constant 0 : i32
    %dma_wait3A_441 = tpu.memref_slice %arg3[%dma_wait3A_439, %dma_wait3A_440] : memref<100000x128xf32, #tpu.memory_space<hbm>> -> memref<100000x128xf32, #tpu.memory_space<hbm>>
    tpu.wait_indirect_dma semaphore(%arg19 : memref<!tpu.dma_semaphore, #tpu.memory_space<semaphore_mem>>) src(%dma_wait3A_441 : memref<100000x128xf32, #tpu.memory_space<hbm>>) dst(%dma_wait3A_436 : memref<104x128xf32, #tpu.memory_space<vmem>>)
    %dma_wait3A_442 = arith.constant 104 : i32
    %dma_wait3A_443 = arith.constant 0 : i32
    %dma_wait3A_444 = tpu.memref_slice %arg11[%dma_wait3A_442, %dma_wait3A_443] : memref<200x128xf32, #tpu.memory_space<vmem>> -> memref<96x128xf32, #tpu.memory_space<vmem>>
    %dma_wait3A_445 = arith.constant 104 : i32
    %dma_wait3A_446 = tpu.memref_slice %arg7[%dma_wait3A_445] : memref<200xi32, #tpu.memory_space<vmem>> -> memref<96xi32, #tpu.memory_space<vmem>>
    %dma_wait3A_447 = arith.constant 0 : i32
    %dma_wait3A_448 = arith.constant 0 : i32
    %dma_wait3A_449 = tpu.memref_slice %arg3[%dma_wait3A_447, %dma_wait3A_448] : memref<100000x128xf32, #tpu.memory_space<hbm>> -> memref<100000x128xf32, #tpu.memory_space<hbm>>
    tpu.wait_indirect_dma semaphore(%arg19 : memref<!tpu.dma_semaphore, #tpu.memory_space<semaphore_mem>>) src(%dma_wait3A_449 : memref<100000x128xf32, #tpu.memory_space<hbm>>) dst(%dma_wait3A_444 : memref<96x128xf32, #tpu.memory_space<vmem>>)
    %add3A_450 = arith.constant 126 : i32
    %add3A_451 = arith.addi %mul3A_2, %add3A_450 : i32
    %dma_start3A_452 = arith.constant 0 : i32
    %dma_start3A_453 = arith.constant 0 : i32
    %dma_start3A_454 = tpu.memref_slice %arg4[%add3A_451, %dma_start3A_452, %dma_start3A_453] : memref<4096x200x128xf32, #tpu.memory_space<hbm>> -> memref<1x200x128xf32, #tpu.memory_space<hbm>>
    %dma_start3A_455 = tpu.memref_squeeze %dma_start3A_454 : memref<1x200x128xf32, #tpu.memory_space<hbm>> -> memref<200x128xf32, #tpu.memory_space<hbm>>
    %dma_start3A_456 = arith.constant 0 : i32
    %dma_start3A_457 = arith.constant 0 : i32
    %dma_start3A_458 = tpu.memref_slice %arg4[%add3A_451, %dma_start3A_456, %dma_start3A_457] : memref<4096x200x128xf32, #tpu.memory_space<hbm>> -> memref<1x200x128xf32, #tpu.memory_space<hbm>>
    %dma_start3A_459 = tpu.memref_squeeze %dma_start3A_458 : memref<1x200x128xf32, #tpu.memory_space<hbm>> -> memref<200x128xf32, #tpu.memory_space<hbm>>
    tpu.enqueue_dma source(%arg11 : memref<200x128xf32, #tpu.memory_space<vmem>>) target(%dma_start3A_459 : memref<200x128xf32, #tpu.memory_space<hbm>>) target_semaphore(%arg23 : memref<!tpu.dma_semaphore, #tpu.memory_space<semaphore_mem>>)
    %dma_wait3A_460 = arith.constant 0 : i32
    %dma_wait3A_461 = arith.constant 0 : i32
    %dma_wait3A_462 = tpu.memref_slice %arg12[%dma_wait3A_460, %dma_wait3A_461] : memref<200x128xf32, #tpu.memory_space<vmem>> -> memref<104x128xf32, #tpu.memory_space<vmem>>
    %dma_wait3A_463 = arith.constant 0 : i32
    %dma_wait3A_464 = tpu.memref_slice %arg8[%dma_wait3A_463] : memref<200xi32, #tpu.memory_space<vmem>> -> memref<104xi32, #tpu.memory_space<vmem>>
    %dma_wait3A_465 = arith.constant 0 : i32
    %dma_wait3A_466 = arith.constant 0 : i32
    %dma_wait3A_467 = tpu.memref_slice %arg3[%dma_wait3A_465, %dma_wait3A_466] : memref<100000x128xf32, #tpu.memory_space<hbm>> -> memref<100000x128xf32, #tpu.memory_space<hbm>>
    tpu.wait_indirect_dma semaphore(%arg20 : memref<!tpu.dma_semaphore, #tpu.memory_space<semaphore_mem>>) src(%dma_wait3A_467 : memref<100000x128xf32, #tpu.memory_space<hbm>>) dst(%dma_wait3A_462 : memref<104x128xf32, #tpu.memory_space<vmem>>)
    %dma_wait3A_468 = arith.constant 104 : i32
    %dma_wait3A_469 = arith.constant 0 : i32
    %dma_wait3A_470 = tpu.memref_slice %arg12[%dma_wait3A_468, %dma_wait3A_469] : memref<200x128xf32, #tpu.memory_space<vmem>> -> memref<96x128xf32, #tpu.memory_space<vmem>>
    %dma_wait3A_471 = arith.constant 104 : i32
    %dma_wait3A_472 = tpu.memref_slice %arg8[%dma_wait3A_471] : memref<200xi32, #tpu.memory_space<vmem>> -> memref<96xi32, #tpu.memory_space<vmem>>
    %dma_wait3A_473 = arith.constant 0 : i32
    %dma_wait3A_474 = arith.constant 0 : i32
    %dma_wait3A_475 = tpu.memref_slice %arg3[%dma_wait3A_473, %dma_wait3A_474] : memref<100000x128xf32, #tpu.memory_space<hbm>> -> memref<100000x128xf32, #tpu.memory_space<hbm>>
    tpu.wait_indirect_dma semaphore(%arg20 : memref<!tpu.dma_semaphore, #tpu.memory_space<semaphore_mem>>) src(%dma_wait3A_475 : memref<100000x128xf32, #tpu.memory_space<hbm>>) dst(%dma_wait3A_470 : memref<96x128xf32, #tpu.memory_space<vmem>>)
    %add3A_476 = arith.constant 127 : i32
    %add3A_477 = arith.addi %mul3A_2, %add3A_476 : i32
    %dma_start3A_478 = arith.constant 0 : i32
    %dma_start3A_479 = arith.constant 0 : i32
    %dma_start3A_480 = tpu.memref_slice %arg4[%add3A_477, %dma_start3A_478, %dma_start3A_479] : memref<4096x200x128xf32, #tpu.memory_space<hbm>> -> memref<1x200x128xf32, #tpu.memory_space<hbm>>
    %dma_start3A_481 = tpu.memref_squeeze %dma_start3A_480 : memref<1x200x128xf32, #tpu.memory_space<hbm>> -> memref<200x128xf32, #tpu.memory_space<hbm>>
    %dma_start3A_482 = arith.constant 0 : i32
    %dma_start3A_483 = arith.constant 0 : i32
    %dma_start3A_484 = tpu.memref_slice %arg4[%add3A_477, %dma_start3A_482, %dma_start3A_483] : memref<4096x200x128xf32, #tpu.memory_space<hbm>> -> memref<1x200x128xf32, #tpu.memory_space<hbm>>
    %dma_start3A_485 = tpu.memref_squeeze %dma_start3A_484 : memref<1x200x128xf32, #tpu.memory_space<hbm>> -> memref<200x128xf32, #tpu.memory_space<hbm>>
    tpu.enqueue_dma source(%arg12 : memref<200x128xf32, #tpu.memory_space<vmem>>) target(%dma_start3A_485 : memref<200x128xf32, #tpu.memory_space<hbm>>) target_semaphore(%arg24 : memref<!tpu.dma_semaphore, #tpu.memory_space<semaphore_mem>>)
    %dma_wait3A_486 = arith.constant 0 : i32
    %dma_wait3A_487 = arith.constant 0 : i32
    %dma_wait3A_488 = tpu.memref_slice %arg4[%mul3A_2, %dma_wait3A_486, %dma_wait3A_487] : memref<4096x200x128xf32, #tpu.memory_space<hbm>> -> memref<1x200x128xf32, #tpu.memory_space<hbm>>
    %dma_wait3A_489 = tpu.memref_squeeze %dma_wait3A_488 : memref<1x200x128xf32, #tpu.memory_space<hbm>> -> memref<200x128xf32, #tpu.memory_space<hbm>>
    %dma_wait3A_490 = arith.constant 0 : i32
    %dma_wait3A_491 = arith.constant 0 : i32
    %dma_wait3A_492 = tpu.memref_slice %arg4[%mul3A_2, %dma_wait3A_490, %dma_wait3A_491] : memref<4096x200x128xf32, #tpu.memory_space<hbm>> -> memref<1x200x128xf32, #tpu.memory_space<hbm>>
    %dma_wait3A_493 = tpu.memref_squeeze %dma_wait3A_492 : memref<1x200x128xf32, #tpu.memory_space<hbm>> -> memref<200x128xf32, #tpu.memory_space<hbm>>
    tpu.wait_dma2 semaphore(%arg21 : memref<!tpu.dma_semaphore, #tpu.memory_space<semaphore_mem>>) src(%arg9 : memref<200x128xf32, #tpu.memory_space<vmem>>) dst(%dma_wait3A_493 : memref<200x128xf32, #tpu.memory_space<hbm>>)
    %dma_wait3A_494 = arith.constant 0 : i32
    %dma_wait3A_495 = arith.constant 0 : i32
    %dma_wait3A_496 = tpu.memref_slice %arg4[%mul3A_2, %dma_wait3A_494, %dma_wait3A_495] : memref<4096x200x128xf32, #tpu.memory_space<hbm>> -> memref<1x200x128xf32, #tpu.memory_space<hbm>>
    %dma_wait3A_497 = tpu.memref_squeeze %dma_wait3A_496 : memref<1x200x128xf32, #tpu.memory_space<hbm>> -> memref<200x128xf32, #tpu.memory_space<hbm>>
    %dma_wait3A_498 = arith.constant 0 : i32
    %dma_wait3A_499 = arith.constant 0 : i32
    %dma_wait3A_500 = tpu.memref_slice %arg4[%mul3A_2, %dma_wait3A_498, %dma_wait3A_499] : memref<4096x200x128xf32, #tpu.memory_space<hbm>> -> memref<1x200x128xf32, #tpu.memory_space<hbm>>
    %dma_wait3A_501 = tpu.memref_squeeze %dma_wait3A_500 : memref<1x200x128xf32, #tpu.memory_space<hbm>> -> memref<200x128xf32, #tpu.memory_space<hbm>>
    tpu.wait_dma2 semaphore(%arg22 : memref<!tpu.dma_semaphore, #tpu.memory_space<semaphore_mem>>) src(%arg10 : memref<200x128xf32, #tpu.memory_space<vmem>>) dst(%dma_wait3A_501 : memref<200x128xf32, #tpu.memory_space<hbm>>)
    %dma_wait3A_502 = arith.constant 0 : i32
    %dma_wait3A_503 = arith.constant 0 : i32
    %dma_wait3A_504 = tpu.memref_slice %arg4[%mul3A_2, %dma_wait3A_502, %dma_wait3A_503] : memref<4096x200x128xf32, #tpu.memory_space<hbm>> -> memref<1x200x128xf32, #tpu.memory_space<hbm>>
    %dma_wait3A_505 = tpu.memref_squeeze %dma_wait3A_504 : memref<1x200x128xf32, #tpu.memory_space<hbm>> -> memref<200x128xf32, #tpu.memory_space<hbm>>
    %dma_wait3A_506 = arith.constant 0 : i32
    %dma_wait3A_507 = arith.constant 0 : i32
    %dma_wait3A_508 = tpu.memref_slice %arg4[%mul3A_2, %dma_wait3A_506, %dma_wait3A_507] : memref<4096x200x128xf32, #tpu.memory_space<hbm>> -> memref<1x200x128xf32, #tpu.memory_space<hbm>>
    %dma_wait3A_509 = tpu.memref_squeeze %dma_wait3A_508 : memref<1x200x128xf32, #tpu.memory_space<hbm>> -> memref<200x128xf32, #tpu.memory_space<hbm>>
    tpu.wait_dma2 semaphore(%arg23 : memref<!tpu.dma_semaphore, #tpu.memory_space<semaphore_mem>>) src(%arg11 : memref<200x128xf32, #tpu.memory_space<vmem>>) dst(%dma_wait3A_509 : memref<200x128xf32, #tpu.memory_space<hbm>>)
    %dma_wait3A_510 = arith.constant 0 : i32
    %dma_wait3A_511 = arith.constant 0 : i32
    %dma_wait3A_512 = tpu.memref_slice %arg4[%mul3A_2, %dma_wait3A_510, %dma_wait3A_511] : memref<4096x200x128xf32, #tpu.memory_space<hbm>> -> memref<1x200x128xf32, #tpu.memory_space<hbm>>
    %dma_wait3A_513 = tpu.memref_squeeze %dma_wait3A_512 : memref<1x200x128xf32, #tpu.memory_space<hbm>> -> memref<200x128xf32, #tpu.memory_space<hbm>>
    %dma_wait3A_514 = arith.constant 0 : i32
    %dma_wait3A_515 = arith.constant 0 : i32
    %dma_wait3A_516 = tpu.memref_slice %arg4[%mul3A_2, %dma_wait3A_514, %dma_wait3A_515] : memref<4096x200x128xf32, #tpu.memory_space<hbm>> -> memref<1x200x128xf32, #tpu.memory_space<hbm>>
    %dma_wait3A_517 = tpu.memref_squeeze %dma_wait3A_516 : memref<1x200x128xf32, #tpu.memory_space<hbm>> -> memref<200x128xf32, #tpu.memory_space<hbm>>
    tpu.wait_dma2 semaphore(%arg24 : memref<!tpu.dma_semaphore, #tpu.memory_space<semaphore_mem>>) src(%arg12 : memref<200x128xf32, #tpu.memory_space<vmem>>) dst(%dma_wait3A_517 : memref<200x128xf32, #tpu.memory_space<hbm>>)
    return
  }
}

</mosaic_0001>

<sc_bundles>
// kernel: kernel.3.cloned.1.call-start
scs
__scs_entry_jumppad:
0x0: {  	(pc) =	sbr.rel $0x88, $3  }
0x1: {  	(tag) =	ssettag $0x0;
	lr =	simm.s32 $0x1  }
0x2: {  	[smem:$0x3F9F] =	sst lr;
	_ =	strace $0xD0000000  }
0x3: {  	_ = 	snop  }
0x4: {  	_ = 	snop  }
0x5: {  	_ = 	snop  }
0x6: {  	_ = 	snop  }
0x7: {  	_ = 	snop  }
__scs_overlays_trampoline_lowered:
0x8: {  	[smem:$0x3FAE] =	sst s0  }
0x9: {  	[smem:$0x3FAF] =	sst s1  }
0xa: {  	[smem:$0x3FB0] =	sst s2  }
0xb: {  	[smem:$0x3FB1] =	sst s3  }
0xc: {  	[smem:$0x3FB2] =	sst s4  }
0xd: {  	[smem:$0x3FB3] =	sst s5  }
0xe: {  	[smem:$0x3FB4] =	sst s6  }
0xf: {  	[smem:$0x3FB5] =	sst s7  }
0x10: {  	[smem:$0x3FB6] =	sst s8  }
0x11: {  	[smem:$0x3FB7] =	sst s9;
	s0 =	simm.s32 @!p0 $0x0  }
0x12: {  	s1 =	sld [smem:$0x3F9D];
	s0 =	simm.s32 @p0 $0x1  }
0x13: {  	[smem:$0x3FB8] =	sst s0;
	s0 =	simm.s32 @!p1 $0x0  }
0x14: {  	s2 =	sld [smem:$0x3F9C];
	s0 =	simm.s32 @p1 $0x1  }
0x15: {  	[smem:$0x3FB9] =	sst s0;
	s0 =	simm.s32 @!p2 $0x0  }
0x16: {  	s3 =	sld [smem:$0x3FDB];
	s0 =	simm.s32 @p2 $0x1  }
0x17: {  	s4 =	simm.s32 $0x1BF5;
	[smem:$0x3FBB] =	sst s0  }
0x18: {  	s0 =	sld [smem:$0x3F9E];
	_ =	swait.ge [sflag:s4], $0x0  }
0x19: {  	s7 =	sld [smem:$0x3F9F]  }
0x1a: {  	s8 =	sadd.s32 $0xFFFFE003, lr  }
0x1b: {  	s9 =	sadd.s32 $0xFFFFFEF7, lr;
	s5 =	simm.s32 $0xFFFFFFFF;
	p2 =	slt.u32 s8, $0xFFFFF086  }
0x1c: {  	p1 =	slt.u32 s9, $0xF7A;
	s5 =	simm.s32 @!p2 $0x0  }
0x1d: {  	s5 =	simm.s32 @p1 $0x1;
	p0 =	seq.s32 s7, s2  }
0x1e: {  	s7 =	smul.u32 @!p0 $0xF7A, s2;
	p2 =	seq.s32 @!p0 s5, $0x0  }
0x1f: {  	s9 =	smul.u32 $0xF7A, s1;
	s8 =	simm.s32 @!p0 $0x1BF5;
	p2 =	por !p2, p0  }
0x20: {  	[sflag:s8] =	ssyncset.s32 @!p0 $0xFFFFF086;
	s6 =	sadd.s32 @!p0 s3, s7;
	s7 =	simm.s32 @!p0 $0x108  }
0x21: {  	s3 =	sadd.s32 s3, s9;
	s6 =	sadd.s32 @!p0 $0x88, s6;
	s7 =	simm.s32 @p2 $0x1082  }
0x22: {  	[simem:s7], [sflag:s8] =	dma.local @!p0 [hbm:s6], $0xF7A  }
0x23: {  	s9 =	sor.u32 $0xD0000000, s2;
	s6 =	simm.s32 $0x108;
	_ =	swait.ge @!p0 [sflag:s8], $0x0  }
0x24: {  	s3 =	sadd.s32 $0x88, s3;
	s6 =	simm.s32 @!p1 $0x1082;
	[sflag:s4] =	ssyncset.s32 $0xFFFFF086  }
0x25: {  	[simem:s6], [sflag:s4] =	dma.local [hbm:s3], $0xF7A  }
0x26: {  	[smem:$0x3F9F] =	sst s1;
	(tag) =	ssettag s2;
	_ =	strace s9  }
0x27: {  	s1 =	sld [smem:$0x3FAF]  }
0x28: {  	s2 =	sld [smem:$0x3FB0]  }
0x29: {  	s4 =	sld [smem:$0x3FB2]  }
0x2a: {  	p0 =	seq.s32 s5, $0x0;
	s5 =	sld [smem:$0x3FB3]  }
0x2b: {  	s6 =	sld [smem:$0x3FB4]  }
0x2c: {  	s7 =	sld [smem:$0x3FB5]  }
0x2d: {  	s3 =	simm.s32 $0x108;
	s8 =	sld [smem:$0x3FB6]  }
0x2e: {  	s3 =	simm.s32 @!p0 $0x1082;
	s9 =	sld [smem:$0x3FB7]  }
0x2f: {  	lr =	sadd.s32 s0, s3;
	s0 =	sld [smem:$0x3FAE]  }
0x30: {  	s3 =	sld [smem:$0x3FB1]  }
0x31: {  	[smem:$0x3FBA] =	sst s10  }
0x32: {  	s10 =	sld [smem:$0x3FB8];
	_ =	sdelay $0x3  }
0x33: {  	p0 =	seq.s32 s10, $0x1;
	s10 =	sld [smem:$0x3FBA];
	_ =	sdelay $0x3  }
0x34: {  	[smem:$0x3FBA] =	sst s10  }
0x35: {  	s10 =	sld [smem:$0x3FB9];
	_ =	sdelay $0x3  }
0x36: {  	p1 =	seq.s32 s10, $0x1;
	s10 =	sld [smem:$0x3FBA];
	_ =	sdelay $0x3  }
0x37: {  	[smem:$0x3FBA] =	sst s10  }
0x38: {  	s10 =	sld [smem:$0x3FBB]  }
0x39: {  	_ = 	snop;
	(pc) =	sbr.ind lr, $3  }
0x3a: {  	_ = 	snop  }
0x3b: {  	_ = 	snop  }
0x3c: {  	p2 =	seq.s32 s10, $0x1;
	s10 =	sld [smem:$0x3FBA]  }
0x3d: {  	_ =	shalt  }
0x3e: {  	_ =	shalt  }
0x3f: {  	_ =	shalt  }
0x40: {  	_ =	shalt  }
0x41: {  	_ =	shalt  }
0x42: {  	_ =	shalt  }
0x43: {  	_ =	shalt  }
0x44: {  	_ =	shalt  }
0x45: {  	_ =	shalt  }
0x46: {  	_ =	shalt  }
0x47: {  	_ =	shalt  }
0x48: {  	_ =	shalt  }
0x49: {  	_ =	shalt  }
0x4a: {  	_ =	shalt  }
0x4b: {  	_ =	shalt  }
0x4c: {  	_ =	shalt  }
0x4d: {  	_ =	shalt  }
0x4e: {  	_ =	shalt  }
0x4f: {  	_ =	shalt  }
0x50: {  	_ =	shalt  }
0x51: {  	_ =	shalt  }
0x52: {  	_ =	shalt  }
0x53: {  	_ =	shalt  }
0x54: {  	_ =	shalt  }
0x55: {  	_ =	shalt  }
0x56: {  	_ =	shalt  }
0x57: {  	_ =	shalt  }
0x58: {  	_ =	shalt  }
0x59: {  	_ =	shalt  }
0x5a: {  	_ =	shalt  }
0x5b: {  	_ =	shalt  }
0x5c: {  	_ =	shalt  }
0x5d: {  	_ =	shalt  }
0x5e: {  	_ =	shalt  }
0x5f: {  	_ =	shalt  }
0x60: {  	_ =	shalt  }
0x61: {  	_ =	shalt  }
0x62: {  	_ =	shalt  }
0x63: {  	_ =	shalt  }
0x64: {  	_ =	shalt  }
0x65: {  	_ =	shalt  }
0x66: {  	_ =	shalt  }
0x67: {  	_ =	shalt  }
0x68: {  	_ =	shalt  }
0x69: {  	_ =	shalt  }
0x6a: {  	_ =	shalt  }
0x6b: {  	_ =	shalt  }
0x6c: {  	_ =	shalt  }
0x6d: {  	_ =	shalt  }
0x6e: {  	_ =	shalt  }
0x6f: {  	_ =	shalt  }
0x70: {  	_ =	shalt  }
0x71: {  	_ =	shalt  }
0x72: {  	_ =	shalt  }
0x73: {  	_ =	shalt  }
0x74: {  	_ =	shalt  }
0x75: {  	_ =	shalt  }
0x76: {  	_ =	shalt  }
0x77: {  	_ =	shalt  }
0x78: {  	_ =	shalt  }
0x79: {  	_ =	shalt  }
0x7a: {  	_ =	shalt  }
0x7b: {  	_ =	shalt  }
0x7c: {  	_ =	shalt  }
0x7d: {  	_ =	shalt  }
0x7e: {  	_ =	shalt  }
0x7f: {  	_ =	shalt  }
0x80: {  	_ =	shalt  }
0x81: {  	_ =	shalt  }
0x82: {  	_ =	shalt  }
0x83: {  	_ =	shalt  }
0x84: {  	_ =	shalt  }
0x85: {  	_ =	shalt  }
0x86: {  	_ =	shalt  }
0x87: {  	_ =	shalt  }
.Lfunc_end0:
.L_simem_size_0:
called_computation.1_lowered:
.L_overlay_start_0:
0x88: {  	s2 =	sld [smem:$0x3FD9]  }
0x89: {  	s3 =	sld [smem:$0x3FFE];
	_ =	sdelay $0x1  }
0x8a: {  	s1 =	srdreg.scid  }
0x8b: {  	s0 =	sand.u32 $0x1, s1  }
0x8c: {  	s16 =	sshll.u32 s0, $0xA;
	s2 =	sadd.s32 s3, s2  }
0x8d: {  	s2 =	sadd.s32 s2, s16  }
0x8e: {  	[smem:$0x3FC6] =	sst s2  }
0x8f: {  	_ = 	snop  }
0x90: {  	(tm) =	ssettm $0x1  }
0x91: {  	s17 =	sld [smem:$0x3FFB];
	_ =	sdelay $0x3  }
0x92: {  	_ =	strace s17  }
0x93: {  	s2 =	sld [smem:$0x3FFC];
	_ =	sdelay $0x3  }
0x94: {  	_ =	strace s2  }
0x95: {  	s2 =	sld [smem:$0x3FFD];
	_ =	sdelay $0x3  }
0x96: {  	_ =	strace s2  }
0x97: {  	_ =	strace $0x8FFFFFFF  }
0x98: {  	s18 =	sld [smem:$0x3FDB];
	_ =	sdelay $0x1  }
0x99: {  	s19 =	simm.s32 $_scs_section_size  }
0x9a: {  	s4 =	simm.s32 $_size__tile_overlayer_lowered;
	s5 =	simm.s32 $_tile_overlayer_lowered  }
0x9b: {  	s22 =	simm.s32 $0x1BFF;
	s21 =	sshll.u32 s5, $0x1;
	s2 =	sadd.s32 s19, s18  }
0x9c: {  	s6 =	simm.s32 $0x0;
	s20 =	sshll.u32 s4, $0x1;
	s4 =	sadd.s32 s21, s2  }
0x9d: {  	[timem:s6], [sflag:s22] =	dma.local [hbm:s4], s20  }
0x9e: {  	_ =	swait.ge [sflag:s22], s20  }
0x9f: {  	s3 =	ssub.s32 $0x0, s20;
	[sflag:s22] =	ssyncset.done $0x0  }
0xa0: {  	[sflag:s22] =	ssyncadd.s32 s3;
	_ =	sdelay $0x1  }
0xa1: {  	s23 =	simm.s32 $0x1B8B  }
0xa2: {  	_ =	swait.ge [sflag:s23], $0x1  }
0xa3: {  	[sflag:s23] =	ssyncset.done $0x0  }
0xa4: {  	s25 =	simm.s32 $0x1B8E;
	s24 =	sld [smem:$0x3FFE];
	[sflag:s23] =	ssyncadd.s32 $0xFFFFFFFF  }
0xa5: {  	s26 =	simm.s32 $execute0_lowered;
	[smem:$0x3FD2] =	sst s25  }
0xa6: {  	s4 =	sshll.u32 s26, $0x1;
	_ =	strace $0x80000046;
	[dreg:$0x1] =	wrdreg $0xFFFFFFFF  }
0xa7: {  	s28 =	simm.s32 $_size_execute0_lowered;
	s2 =	sadd.s32 s2, s4;
	[dreg:$0x0] =	wrdreg $0x0  }
0xa8: {  	s4 =	sshll.u32 s28, $0x1;
	[dreg:$0x2] =	wrdreg s2  }
0xa9: {  	[dreg:$0x3] =	wrdreg s4  }
0xaa: {  	[dreg:$0x4] =	wrdreg $0xC0  }
0xab: {  	_ =	task [dreg:s6], $0x5FFFF  }
0xac: {  	[dreg:$0x1] =	wrdreg $0xFFFFFFFF  }
0xad: {  	[dreg:$0x0] =	wrdreg $0x60  }
0xae: {  	[dreg:$0x2] =	wrdreg s24  }
0xaf: {  	[dreg:$0x3] =	wrdreg $0x9  }
0xb0: {  	_ =	task.clear_ibuf [dreg:s6], $0x4FFFF;
	_ =	strace $0x90000046  }
0xb1: {  	s29 =	simm.s32 $0x9;
	_ =	strace $0x80000048  }
0xb2: {  	_ =	swait.ge [sflag:s29], $0x1  }
0xb3: {  	[sflag:s29] =	ssyncadd.s32 $0xFFFFFFFF  }
0xb4: {  	_ =	strace $0x90000048  }
0xb5: {  	_ =	sfence  }
0xb6: {  	s30 =	sld [smem:$0x0];
	_ =	sdelay $0x2  }
0xb7: {  	s31 =	sshll.u32 s1, $0xD;
	s1 =	sshrl.u32 s1, $0x2  }
0xb8: {  	s3 =	sand.u32 $0x4000, s31;
	s1 =	sadd.s32 s1, s30  }
0xb9: {  	s0 =	sor.u32 s3, s0;
	s1 =	sshll.u32 s1, $0x11  }
0xba: {  	s0 =	sor.u32 s1, s0  }
0xbb: {  	s0 =	sadd.s32 $0x8F2B, s0  }
0xbc: {  	[sflag:s0] =	ssyncadd.remote.s32 $0x1  }
0xbd: {  	_ =	sfence.sel $0xFFFF  }
0xbe: {  	[dreg:$0x0] =	wrdreg $0xFFFFFFFF;
	(pc) =	sbr.abs _section_cstart, $3  }
0xbf: {  	[dreg:$0x1] =	wrdreg $0xFFFFFFFF  }
0xc0: {  	_ =	task.clear_ibuf [dreg:s6], $0x2FFFF;
	_ =	strace $0x9FFFFFFF  }
0xc1: {  	(tm) =	ssettm $0x7FFFFFFF  }
tec
execute0_lowered:
.L_overlay_start_1:
0x0: {  	(tag) =	ssettag $0x1  }
0x1: {  	s0 =	rddreg [dreg:$0x0];
	s2 =	simm.s32 $0x0  }
0x2: {  	s1 =	srdreg.scid;
	s9 =	stileid.u32;
	s30 =	simm.s32 $0x1  }
0x3: {  	s31 =	simm.s32 $0x68;
	s12 =	simm.s32 $0x168;
	s11 =	simm.s32 $0x3  }
0x4: {  	[smem:$0x7FF] =	sst s2;
	s1 =	sand.u32 $0x1, s1;
	s3 =	sadd.s32 $0x800, s0  }
0x5: {  	s5 =	sshll.u32 s9, $0x8;
	s4 =	sadd.s32 $0x20800, s0;
	s0 =	sadd.s32 $0x1A7200, s0  }
0x6: {  	s22 =	smul.u32 $0xC8000, s9;
	s28 =	sshll.u32 s9, $0xD;
	s9 =	simm.s32 $0x268  }
0x7: {  	_ =	strace $0x80000047;
	s6 =	sshll.u32 s1, $0x7;
	s7 =	ssub.s32 $0x2, s1  }
0x8: {  	s25 =	smul.u32 $0x64000, s1;
	s1 =	sshll.u32 s1, $0xC;
	s5 =	sor.u32 s6, s5  }
0x9: {  	s13 =	sshrl.u32 s7, $0x1;
	s29 =	sor.u32 s1, s28;
	s8 =	sshll.u32 s5, $0x5  }
0xa: {  	s6 =	ssub.s32 s7, s13;
	[dreg:$0x14] =	wrdreg s29;
	s8 =	sadd.s32 s3, s8  }
0xb: {  	s1 =	simm.s32 $0xC;
	s6 =	smax.u32 s6, $0x1;
	[dreg:$0x2] =	wrdreg s8  }
0xc: {  	s14 =	smul.u32 $0xC80, s5;
	s10 =	sadd.s32 $0x10, s8;
	[dreg:$0x12] =	wrdreg s6  }
0xd: {  	s5 =	smul.u32 $0x6400, s5;
	s15 =	sadd.s32 $0x20, s8;
	[dreg:$0x3] =	wrdreg s10  }
0xe: {  	s13 =	simm.s32 $0x10000;
	s16 =	sadd.s32 $0x30, s8;
	[dreg:$0x4] =	wrdreg s15  }
0xf: {  	s17 =	sadd.s32 $0x40, s8;
	s7 =	sadd.s32 s0, s14;
	[dreg:$0x5] =	wrdreg s16  }
0x10: {  	s18 =	sadd.s32 $0x50, s8;
	s20 =	sadd.s32 $0x60, s8;
	[dreg:$0x6] =	wrdreg s17  }
0x11: {  	s8 =	sadd.s32 $0x70, s8;
	s5 =	sshrl.u32 s5, $0x3;
	[dreg:$0x8] =	wrdreg s18  }
0x12: {  	s14 =	simm.s32 $0x3800;
	s6 =	simm.s32 $0x2;
	[dreg:$0xa] =	wrdreg s20  }
0x13: {  	s19 =	sadd.s32 $0xC80, s7;
	s21 =	sadd.s32 $0x1900, s7;
	[dreg:$0xc] =	wrdreg s8  }
0x14: {  	[dreg:$0x7] =	wrdreg s7;
	s7 =	sadd.s32 $0x2580, s7;
	s5 =	sadd.s32 s0, s5  }
0x15: {  	s0 =	sadd.s32 s22, s0;
	s17 =	simm.s32 $0x9C00;
	s15 =	simm.s32 $0x5  }
0x16: {  	s16 =	simm.s32 $0x4;
	s20 =	simm.s32 $0x6;
	[dreg:$0x9] =	wrdreg s19  }
0x17: {  	s10 =	simm.s32 $0x7;
	s22 =	simm.s32 $0x8;
	[dreg:$0xb] =	wrdreg s21  }
0x18: {  	[dreg:$0xd] =	wrdreg s7;
	s23 =	sadd.s32 $0x60E00, s5;
	s24 =	sadd.s32 $0x61A80, s5  }
0x19: {  	s26 =	sadd.s32 $0x62700, s5;
	s5 =	sadd.s32 $0x63380, s5;
	[dreg:$0xe] =	wrdreg s23  }
0x1a: {  	s0 =	sadd.s32 s25, s0;
	s25 =	simm.s32 $0x400;
	[dreg:$0xf] =	wrdreg s24  }
0x1b: {  	s19 =	simm.s32 $0x100;
	s21 =	simm.s32 $0x9;
	[dreg:$0x10] =	wrdreg s26  }
0x1c: {  	s7 =	simm.s32 $0x0;
	[dreg:$0x11] =	wrdreg s5;
	s0 =	sadd.s32 $0x3200, s0  }
0x1d: {  	s24 =	simm.s32 $0x80;
	s26 =	simm.s32 $0x200;
	s5 =	simm.s32 $0xA  }
0x1e: {  	s23 =	simm.s32 $0xB;
	[dreg:$0x13] =	wrdreg s0;
	s0 =	simm.s32 $0x60  }
.LBB2_1:
0x1f: {  	[dreg:$0x15] =	wrdreg s7  }
0x20: {  	s8 =	rddreg [dreg:$0x2]  }
0x21: {  	[tilespmem:s2], [sflag:$0x1] =	stream.strided.gather [hbm4b:s8+s24], $0x100, s25, s24, $0x38;
	[tilespmem:$0x19400] =	vst v63  }
0x22: {  	s7 =	rddreg [dreg:$0x3]  }
0x23: {  	[tilespmem:s19], [sflag:$0x2] =	stream.strided.gather [hbm4b:s7+s24], $0x100, s25, s24, $0x38;
	[tilespmem:$0x19400] =	vst v63  }
0x24: {  	s18 =	rddreg [dreg:$0x4]  }
0x25: {  	[tilespmem:s26], [sflag:$0x3] =	stream.strided.gather [hbm4b:s18+s24], $0x100, s25, s24, $0x38;
	[tilespmem:$0x19400] =	vst v63  }
0x26: {  	s7 =	rddreg [dreg:$0x5];
	s18 =	simm.s32 $0x300  }
0x27: {  	[tilespmem:s18], [sflag:$0x4] =	stream.strided.gather [hbm4b:s7+s24], $0x100, s25, s24, $0x38;
	[tilespmem:$0x19400] =	vst v63  }
0x28: {  	_ =	swait.ge [sflag:s30], $0x100  }
0x29: {  	[sflag:s30] =	ssyncset.done $0x0  }
0x2a: {  	[sflag:s30] =	ssyncadd.s32 $0xFFFFFF00  }
0x2b: {  	[tilespmem:s25], [sflag:$0x5] =	stream.indirect.gather [hbm4b:s4+s31], $0x80, s2, s31, $0xb8;
	[tilespmem:$0x19400] =	vst v63  }
0x2c: {  	_ = 	snop  }
0x2d: {  	[tilespmem:s14], [sflag:$0x5] =	stream.indirect.gather [hbm4b:s4+s0], $0x80, s31, s0, $0xb8;
	[tilespmem:$0x19400] =	vst v63  }
0x2e: {  	_ =	swait.ge [sflag:s6], $0x100  }
0x2f: {  	[sflag:s6] =	ssyncset.done $0x0  }
0x30: {  	s8 =	simm.s32 $0x6800;
	[sflag:s6] =	ssyncadd.s32 $0xFFFFFF00  }
0x31: {  	[tilespmem:s8], [sflag:$0x6] =	stream.indirect.gather [hbm4b:s4+s31], $0x80, s19, s31, $0xb8;
	[tilespmem:$0x19400] =	vst v63  }
0x32: {  	_ = 	snop  }
0x33: {  	[tilespmem:s17], [sflag:$0x6] =	stream.indirect.gather [hbm4b:s4+s0], $0x80, s12, s0, $0xb8;
	[tilespmem:$0x19400] =	vst v63  }
0x34: {  	_ =	swait.ge [sflag:s11], $0x100  }
0x35: {  	[sflag:s11] =	ssyncset.done $0x0  }
0x36: {  	s8 =	simm.s32 $0xCC00;
	[sflag:s11] =	ssyncadd.s32 $0xFFFFFF00  }
0x37: {  	[tilespmem:s8], [sflag:$0x7] =	stream.indirect.gather [hbm4b:s4+s31], $0x80, s26, s31, $0xb8;
	[tilespmem:$0x19400] =	vst v63  }
0x38: {  	_ = 	snop  }
0x39: {  	[tilespmem:s13], [sflag:$0x7] =	stream.indirect.gather [hbm4b:s4+s0], $0x80, s9, s0, $0xb8;
	[tilespmem:$0x19400] =	vst v63  }
0x3a: {  	_ =	swait.ge [sflag:s15], $0x3400  }
0x3b: {  	[sflag:s15] =	ssyncset.done $0x0  }
0x3c: {  	[sflag:s15] =	ssyncadd.s32 $0xFFFFCC00  }
0x3d: {  	_ =	swait.ge [sflag:s15], $0x3000  }
0x3e: {  	[sflag:s15] =	ssyncset.done $0x0  }
0x3f: {  	s7 =	rddreg [dreg:$0x6];
	[sflag:s15] =	ssyncadd.s32 $0xFFFFD000  }
0x40: {  	[tilespmem:s2], [sflag:$0x1] =	stream.strided.gather [hbm4b:s7+s24], $0x100, s25, s24, $0x38;
	[tilespmem:$0x19400] =	vst v63  }
0x41: {  	_ =	swait.ge [sflag:s16], $0x100  }
0x42: {  	[sflag:s16] =	ssyncset.done $0x0  }
0x43: {  	s28 =	simm.s32 $0x13000;
	s18 =	simm.s32 $0x300;
	[sflag:s16] =	ssyncadd.s32 $0xFFFFFF00  }
0x44: {  	[tilespmem:s28], [sflag:$0x8] =	stream.indirect.gather [hbm4b:s4+s31], $0x80, s18, s31, $0xb8;
	[tilespmem:$0x19400] =	vst v63  }
0x45: {  	s29 =	simm.s32 $0x16400;
	s7 =	simm.s32 $0x368  }
0x46: {  	[tilespmem:s29], [sflag:$0x8] =	stream.indirect.gather [hbm4b:s4+s0], $0x80, s7, s0, $0xb8;
	[tilespmem:$0x19400] =	vst v63  }
0x47: {  	s7 =	rddreg [dreg:$0x7]  }
0x48: {  	[hbm4b:s7+s2] =	stream.linear.scatter [tilespmem:s25], [sflag:$0x9], $0x6400, $0x38;
	[tilespmem:$0x19400] =	vst v63  }
0x49: {  	_ =	swait.ge [sflag:s20], $0x3400  }
0x4a: {  	[sflag:s20] =	ssyncset.done $0x0  }
0x4b: {  	[sflag:s20] =	ssyncadd.s32 $0xFFFFCC00  }
0x4c: {  	_ =	swait.ge [sflag:s20], $0x3000  }
0x4d: {  	[sflag:s20] =	ssyncset.done $0x0  }
0x4e: {  	s7 =	rddreg [dreg:$0x8];
	[sflag:s20] =	ssyncadd.s32 $0xFFFFD000  }
0x4f: {  	[tilespmem:s19], [sflag:$0x2] =	stream.strided.gather [hbm4b:s7+s24], $0x100, s25, s24, $0x38;
	[tilespmem:$0x19400] =	vst v63  }
0x50: {  	_ =	swait.ge [sflag:s30], $0x100  }
0x51: {  	[sflag:s30] =	ssyncset.done $0x0  }
0x52: {  	[sflag:s30] =	ssyncadd.s32 $0xFFFFFF00  }
0x53: {  	_ =	swait.ge [sflag:s21], $0x6400  }
0x54: {  	[sflag:s21] =	ssyncset.done $0x0  }
0x55: {  	[sflag:s21] =	ssyncadd.s32 $0xFFFF9C00  }
0x56: {  	[tilespmem:s25], [sflag:$0x5] =	stream.indirect.gather [hbm4b:s4+s31], $0x80, s2, s31, $0xb8;
	[tilespmem:$0x19400] =	vst v63  }
0x57: {  	_ = 	snop  }
0x58: {  	[tilespmem:s14], [sflag:$0x5] =	stream.indirect.gather [hbm4b:s4+s0], $0x80, s31, s0, $0xb8;
	[tilespmem:$0x19400] =	vst v63  }
0x59: {  	s7 =	simm.s32 $0x6800;
	s8 =	rddreg [dreg:$0x9]  }
0x5a: {  	[hbm4b:s8+s2] =	stream.linear.scatter [tilespmem:s7], [sflag:$0xA], $0x6400, $0x38;
	[tilespmem:$0x19400] =	vst v63  }
0x5b: {  	_ =	swait.ge [sflag:s10], $0x3400  }
0x5c: {  	[sflag:s10] =	ssyncset.done $0x0  }
0x5d: {  	[sflag:s10] =	ssyncadd.s32 $0xFFFFCC00  }
0x5e: {  	_ =	swait.ge [sflag:s10], $0x3000  }
0x5f: {  	[sflag:s10] =	ssyncset.done $0x0  }
0x60: {  	s8 =	rddreg [dreg:$0xa];
	[sflag:s10] =	ssyncadd.s32 $0xFFFFD000  }
0x61: {  	[tilespmem:s26], [sflag:$0x3] =	stream.strided.gather [hbm4b:s8+s24], $0x100, s25, s24, $0x38;
	[tilespmem:$0x19400] =	vst v63  }
0x62: {  	_ =	swait.ge [sflag:s6], $0x100  }
0x63: {  	[sflag:s6] =	ssyncset.done $0x0  }
0x64: {  	[sflag:s6] =	ssyncadd.s32 $0xFFFFFF00  }
0x65: {  	_ =	swait.ge [sflag:s5], $0x6400  }
0x66: {  	[sflag:s5] =	ssyncset.done $0x0  }
0x67: {  	[sflag:s5] =	ssyncadd.s32 $0xFFFF9C00  }
0x68: {  	[tilespmem:s7], [sflag:$0x6] =	stream.indirect.gather [hbm4b:s4+s31], $0x80, s19, s31, $0xb8;
	[tilespmem:$0x19400] =	vst v63  }
0x69: {  	_ = 	snop  }
0x6a: {  	[tilespmem:s17], [sflag:$0x6] =	stream.indirect.gather [hbm4b:s4+s0], $0x80, s12, s0, $0xb8;
	[tilespmem:$0x19400] =	vst v63  }
0x6b: {  	s8 =	rddreg [dreg:$0xb];
	s7 =	simm.s32 $0xCC00  }
0x6c: {  	[hbm4b:s8+s2] =	stream.linear.scatter [tilespmem:s7], [sflag:$0xB], $0x6400, $0x38;
	[tilespmem:$0x19400] =	vst v63  }
0x6d: {  	_ =	swait.ge [sflag:s22], $0x3400  }
0x6e: {  	[sflag:s22] =	ssyncset.done $0x0  }
0x6f: {  	[sflag:s22] =	ssyncadd.s32 $0xFFFFCC00  }
0x70: {  	_ =	swait.ge [sflag:s22], $0x3000  }
0x71: {  	[sflag:s22] =	ssyncset.done $0x0  }
0x72: {  	s18 =	simm.s32 $0x300;
	s8 =	rddreg [dreg:$0xc];
	[sflag:s22] =	ssyncadd.s32 $0xFFFFD000  }
0x73: {  	[tilespmem:s18], [sflag:$0x4] =	stream.strided.gather [hbm4b:s8+s24], $0x100, s25, s24, $0x38;
	[tilespmem:$0x19400] =	vst v63  }
0x74: {  	_ =	swait.ge [sflag:s11], $0x100  }
0x75: {  	[sflag:s11] =	ssyncset.done $0x0  }
0x76: {  	[sflag:s11] =	ssyncadd.s32 $0xFFFFFF00  }
0x77: {  	_ =	swait.ge [sflag:s23], $0x6400  }
0x78: {  	[sflag:s23] =	ssyncset.done $0x0  }
0x79: {  	[sflag:s23] =	ssyncadd.s32 $0xFFFF9C00  }
0x7a: {  	[tilespmem:s7], [sflag:$0x7] =	stream.indirect.gather [hbm4b:s4+s31], $0x80, s26, s31, $0xb8;
	[tilespmem:$0x19400] =	vst v63  }
0x7b: {  	_ = 	snop  }
0x7c: {  	[tilespmem:s13], [sflag:$0x7] =	stream.indirect.gather [hbm4b:s4+s0], $0x80, s9, s0, $0xb8;
	[tilespmem:$0x19400] =	vst v63  }
0x7d: {  	s9 =	rddreg [dreg:$0xd]  }
0x7e: {  	[hbm4b:s9+s2] =	stream.linear.scatter [tilespmem:s28], [sflag:$0xC], $0x6400, $0x38;
	[tilespmem:$0x19400] =	vst v63  }
0x7f: {  	_ =	swait.ge [sflag:s15], $0x3400  }
0x80: {  	[sflag:s15] =	ssyncset.done $0x0  }
0x81: {  	[sflag:s15] =	ssyncadd.s32 $0xFFFFCC00  }
0x82: {  	_ =	swait.ge [sflag:s15], $0x3000  }
0x83: {  	s13 =	simm.s32 $0x80;
	s18 =	rddreg [dreg:$0x14]  }
0x84: {  	s8 =	sand.u32 $0x40, s13;
	s7 =	sadd.s32 $0x100, s18  }
0x85: {  	s8 =	sadd.s32 s3, s8;
	[sflag:s15] =	ssyncset.done $0x0;
	s9 =	sand.u32 $0x3FF00, s7  }
0x86: {  	[sflag:s15] =	ssyncadd.s32 $0xFFFFD000;
	s8 =	sadd.s32 s9, s8  }
0x87: {  	[tilespmem:s2], [sflag:$0x1] =	stream.strided.gather [hbm4b:s8+s24], $0x100, s25, s24, $0x38;
	[tilespmem:$0x19400] =	vst v63  }
0x88: {  	_ =	swait.ge [sflag:s16], $0x100  }
0x89: {  	[sflag:s16] =	ssyncset.done $0x0  }
0x8a: {  	[sflag:s16] =	ssyncadd.s32 $0xFFFFFF00  }
0x8b: {  	_ =	swait.ge [sflag:s1], $0x6400  }
0x8c: {  	[sflag:s1] =	ssyncset.done $0x0  }
0x8d: {  	s29 =	simm.s32 $0x300;
	[sflag:s1] =	ssyncadd.s32 $0xFFFF9C00  }
0x8e: {  	[tilespmem:s28], [sflag:$0x8] =	stream.indirect.gather [hbm4b:s4+s31], $0x80, s29, s31, $0xb8;
	[tilespmem:$0x19400] =	vst v63  }
0x8f: {  	s13 =	simm.s32 $0x16400;
	s9 =	simm.s32 $0x368  }
0x90: {  	[tilespmem:s13], [sflag:$0x8] =	stream.indirect.gather [hbm4b:s4+s0], $0x80, s9, s0, $0xb8;
	[tilespmem:$0x19400] =	vst v63  }
0x91: {  	s13 =	rddreg [dreg:$0x13]  }
0x92: {  	[hbm4b:s13+s2] =	stream.linear.scatter [tilespmem:s25], [sflag:$0x9], $0x6400, $0x38;
	[tilespmem:$0x19400] =	vst v63  }
0x93: {  	_ =	swait.ge [sflag:s20], $0x3400  }
0x94: {  	[sflag:s20] =	ssyncset.done $0x0  }
0x95: {  	s8 =	simm.s32 $0x90;
	[sflag:s20] =	ssyncadd.s32 $0xFFFFCC00  }
0x96: {  	s8 =	sand.u32 $0x50, s8;
	s9 =	sadd.s32 $0x120, s18;
	_ =	swait.ge [sflag:s20], $0x3000  }
0x97: {  	s8 =	sadd.s32 s3, s8;
	s9 =	sand.u32 $0x3FF00, s9;
	[sflag:s20] =	ssyncset.done $0x0  }
0x98: {  	s8 =	sadd.s32 s9, s8;
	[sflag:s20] =	ssyncadd.s32 $0xFFFFD000  }
0x99: {  	[tilespmem:s19], [sflag:$0x2] =	stream.strided.gather [hbm4b:s8+s24], $0x100, s25, s24, $0x38;
	[tilespmem:$0x19400] =	vst v63  }
0x9a: {  	_ =	swait.ge [sflag:s30], $0x100  }
0x9b: {  	[sflag:s30] =	ssyncset.done $0x0  }
0x9c: {  	[sflag:s30] =	ssyncadd.s32 $0xFFFFFF00  }
0x9d: {  	_ =	swait.ge [sflag:s21], $0x6400  }
0x9e: {  	[sflag:s21] =	ssyncset.done $0x0  }
0x9f: {  	[sflag:s21] =	ssyncadd.s32 $0xFFFF9C00  }
0xa0: {  	[tilespmem:s25], [sflag:$0x5] =	stream.indirect.gather [hbm4b:s4+s31], $0x80, s2, s31, $0xb8;
	[tilespmem:$0x19400] =	vst v63  }
0xa1: {  	_ = 	snop  }
0xa2: {  	[tilespmem:s14], [sflag:$0x5] =	stream.indirect.gather [hbm4b:s4+s0], $0x80, s31, s0, $0xb8;
	[tilespmem:$0x19400] =	vst v63  }
0xa3: {  	s9 =	sadd.s32 $0xC80, s13;
	s14 =	simm.s32 $0x6800  }
0xa4: {  	[hbm4b:s9+s2] =	stream.linear.scatter [tilespmem:s14], [sflag:$0xA], $0x6400, $0x38;
	[tilespmem:$0x19400] =	vst v63  }
0xa5: {  	_ =	swait.ge [sflag:s10], $0x3400  }
0xa6: {  	[sflag:s10] =	ssyncset.done $0x0  }
0xa7: {  	s8 =	simm.s32 $0xA0;
	[sflag:s10] =	ssyncadd.s32 $0xFFFFCC00  }
0xa8: {  	s8 =	sand.u32 $0x60, s8;
	s9 =	sadd.s32 $0x140, s18;
	_ =	swait.ge [sflag:s10], $0x3000  }
0xa9: {  	s8 =	sadd.s32 s3, s8;
	s9 =	sand.u32 $0x3FF00, s9;
	[sflag:s10] =	ssyncset.done $0x0  }
0xaa: {  	s8 =	sadd.s32 s9, s8;
	[sflag:s10] =	ssyncadd.s32 $0xFFFFD000  }
0xab: {  	[tilespmem:s26], [sflag:$0x3] =	stream.strided.gather [hbm4b:s8+s24], $0x100, s25, s24, $0x38;
	[tilespmem:$0x19400] =	vst v63  }
0xac: {  	_ =	swait.ge [sflag:s6], $0x100  }
0xad: {  	[sflag:s6] =	ssyncset.done $0x0  }
0xae: {  	[sflag:s6] =	ssyncadd.s32 $0xFFFFFF00  }
0xaf: {  	_ =	swait.ge [sflag:s5], $0x6400  }
0xb0: {  	[sflag:s5] =	ssyncset.done $0x0  }
0xb1: {  	[sflag:s5] =	ssyncadd.s32 $0xFFFF9C00  }
0xb2: {  	[tilespmem:s14], [sflag:$0x6] =	stream.indirect.gather [hbm4b:s4+s31], $0x80, s19, s31, $0xb8;
	[tilespmem:$0x19400] =	vst v63  }
0xb3: {  	_ = 	snop  }
0xb4: {  	[tilespmem:s17], [sflag:$0x6] =	stream.indirect.gather [hbm4b:s4+s0], $0x80, s12, s0, $0xb8;
	[tilespmem:$0x19400] =	vst v63  }
0xb5: {  	s14 =	simm.s32 $0xCC00;
	s12 =	sadd.s32 $0x1900, s13  }
0xb6: {  	[hbm4b:s12+s2] =	stream.linear.scatter [tilespmem:s14], [sflag:$0xB], $0x6400, $0x38;
	[tilespmem:$0x19400] =	vst v63  }
0xb7: {  	_ =	swait.ge [sflag:s22], $0x3400  }
0xb8: {  	[sflag:s22] =	ssyncset.done $0x0  }
0xb9: {  	s17 =	simm.s32 $0xB0;
	[sflag:s22] =	ssyncadd.s32 $0xFFFFCC00  }
0xba: {  	s19 =	sadd.s32 $0x160, s18;
	s8 =	sand.u32 $0x70, s17;
	_ =	swait.ge [sflag:s22], $0x3000  }
0xbb: {  	s9 =	sand.u32 $0x3FF00, s19;
	s8 =	sadd.s32 s3, s8;
	[sflag:s22] =	ssyncset.done $0x0  }
0xbc: {  	s29 =	simm.s32 $0x300;
	s8 =	sadd.s32 s9, s8;
	[sflag:s22] =	ssyncadd.s32 $0xFFFFD000  }
0xbd: {  	[tilespmem:s29], [sflag:$0x4] =	stream.strided.gather [hbm4b:s8+s24], $0x100, s25, s24, $0x38;
	[tilespmem:$0x19400] =	vst v63  }
0xbe: {  	_ =	swait.ge [sflag:s11], $0x100  }
0xbf: {  	[sflag:s11] =	ssyncset.done $0x0  }
0xc0: {  	[sflag:s11] =	ssyncadd.s32 $0xFFFFFF00  }
0xc1: {  	_ =	swait.ge [sflag:s23], $0x6400  }
0xc2: {  	s7 =	simm.s32 $0x10000;
	[sflag:s23] =	ssyncset.done $0x0  }
0xc3: {  	s28 =	simm.s32 $0x100;
	s9 =	sadd.s32 $0x3200, s13;
	[sflag:s23] =	ssyncadd.s32 $0xFFFF9C00  }
0xc4: {  	[tilespmem:s14], [sflag:$0x7] =	stream.indirect.gather [hbm4b:s4+s31], $0x80, s26, s31, $0xb8;
	[tilespmem:$0x19400] =	vst v63  }
0xc5: {  	s8 =	simm.s32 $0xF0;
	s29 =	simm.s32 $0x200;
	s26 =	simm.s32 $0x268  }
0xc6: {  	[tilespmem:s7], [sflag:$0x7] =	stream.indirect.gather [hbm4b:s4+s0], $0x80, s26, s0, $0xb8;
	[tilespmem:$0x19400] =	vst v63  }
0xc7: {  	s14 =	sadd.s32 $0x2580, s13;
	s13 =	sadd.s32 $0x80, s18;
	s26 =	simm.s32 $0x3800  }
.LBB2_2:
0xc8: {  	s12 =	simm.s32 $0x13000  }
0xc9: {  	[hbm4b:s14+s2] =	stream.linear.scatter [tilespmem:s12], [sflag:$0xC], $0x6400, $0x38;
	[tilespmem:$0x19400] =	vst v63  }
0xca: {  	s14 =	smov.u32 s8  }
0xcb: {  	p0 =	sne.s32 s8, $0x7F0;
	s8 =	sadd.s32 $0x40, s8;
	_ =	swait.ge [sflag:s15], $0x3400  }
0xcc: {  	[sflag:s15] =	ssyncset.done $0x0  }
0xcd: {  	s18 =	sadd.s32 $0xFFFFFFD0, s14;
	[sflag:s15] =	ssyncadd.s32 $0xFFFFCC00  }
0xce: {  	s19 =	sadd.s32 $0x100, s13;
	s18 =	sand.u32 $0x40, s18;
	_ =	swait.ge [sflag:s15], $0x3000  }
0xcf: {  	s19 =	sand.u32 $0x3FF00, s19;
	s18 =	sadd.s32 s3, s18;
	[sflag:s15] =	ssyncset.done $0x0  }
0xd0: {  	s18 =	sadd.s32 s19, s18;
	[sflag:s15] =	ssyncadd.s32 $0xFFFFD000  }
0xd1: {  	[tilespmem:s2], [sflag:$0x1] =	stream.strided.gather [hbm4b:s18+s24], $0x100, s25, s24, $0x38;
	[tilespmem:$0x19400] =	vst v63  }
0xd2: {  	_ =	swait.ge [sflag:s16], $0x100  }
0xd3: {  	[sflag:s16] =	ssyncset.done $0x0  }
0xd4: {  	[sflag:s16] =	ssyncadd.s32 $0xFFFFFF00  }
0xd5: {  	_ =	swait.ge [sflag:s1], $0x6400  }
0xd6: {  	[sflag:s1] =	ssyncset.done $0x0  }
0xd7: {  	s7 =	simm.s32 $0x300;
	[sflag:s1] =	ssyncadd.s32 $0xFFFF9C00  }
0xd8: {  	[tilespmem:s12], [sflag:$0x8] =	stream.indirect.gather [hbm4b:s4+s31], $0x80, s7, s31, $0xb8;
	[tilespmem:$0x19400] =	vst v63  }
0xd9: {  	s17 =	simm.s32 $0x16400;
	s12 =	simm.s32 $0x368  }
0xda: {  	[tilespmem:s17], [sflag:$0x8] =	stream.indirect.gather [hbm4b:s4+s0], $0x80, s12, s0, $0xb8;
	[tilespmem:$0x19400] =	vst v63  }
0xdb: {  	_ = 	snop  }
0xdc: {  	[hbm4b:s9+s2] =	stream.linear.scatter [tilespmem:s25], [sflag:$0x9], $0x6400, $0x38;
	[tilespmem:$0x19400] =	vst v63  }
0xdd: {  	_ =	swait.ge [sflag:s20], $0x3400  }
0xde: {  	[sflag:s20] =	ssyncset.done $0x0  }
0xdf: {  	s18 =	sadd.s32 $0xFFFFFFE0, s14;
	[sflag:s20] =	ssyncadd.s32 $0xFFFFCC00  }
0xe0: {  	s19 =	sadd.s32 $0x120, s13;
	s18 =	sand.u32 $0x50, s18;
	_ =	swait.ge [sflag:s20], $0x3000  }
0xe1: {  	s19 =	sand.u32 $0x3FF00, s19;
	s18 =	sadd.s32 s3, s18;
	[sflag:s20] =	ssyncset.done $0x0  }
0xe2: {  	s18 =	sadd.s32 s19, s18;
	[sflag:s20] =	ssyncadd.s32 $0xFFFFD000  }
0xe3: {  	[tilespmem:s28], [sflag:$0x2] =	stream.strided.gather [hbm4b:s18+s24], $0x100, s25, s24, $0x38;
	[tilespmem:$0x19400] =	vst v63  }
0xe4: {  	_ =	swait.ge [sflag:s30], $0x100  }
0xe5: {  	[sflag:s30] =	ssyncset.done $0x0  }
0xe6: {  	[sflag:s30] =	ssyncadd.s32 $0xFFFFFF00  }
0xe7: {  	_ =	swait.ge [sflag:s21], $0x6400  }
0xe8: {  	[sflag:s21] =	ssyncset.done $0x0  }
0xe9: {  	[sflag:s21] =	ssyncadd.s32 $0xFFFF9C00  }
0xea: {  	[tilespmem:s25], [sflag:$0x5] =	stream.indirect.gather [hbm4b:s4+s31], $0x80, s2, s31, $0xb8;
	[tilespmem:$0x19400] =	vst v63  }
0xeb: {  	_ = 	snop  }
0xec: {  	[tilespmem:s26], [sflag:$0x5] =	stream.indirect.gather [hbm4b:s4+s0], $0x80, s31, s0, $0xb8;
	[tilespmem:$0x19400] =	vst v63  }
0xed: {  	s12 =	simm.s32 $0x6800;
	s18 =	sadd.s32 $0xC80, s9  }
0xee: {  	[hbm4b:s18+s2] =	stream.linear.scatter [tilespmem:s12], [sflag:$0xA], $0x6400, $0x38;
	[tilespmem:$0x19400] =	vst v63  }
0xef: {  	_ =	swait.ge [sflag:s10], $0x3400  }
0xf0: {  	[sflag:s10] =	ssyncset.done $0x0  }
0xf1: {  	s18 =	sadd.s32 $0xFFFFFFF0, s14;
	[sflag:s10] =	ssyncadd.s32 $0xFFFFCC00  }
0xf2: {  	s19 =	sadd.s32 $0x140, s13;
	s18 =	sand.u32 $0x60, s18;
	_ =	swait.ge [sflag:s10], $0x3000  }
0xf3: {  	s19 =	sand.u32 $0x3FF00, s19;
	s18 =	sadd.s32 s3, s18;
	[sflag:s10] =	ssyncset.done $0x0  }
0xf4: {  	s18 =	sadd.s32 s19, s18;
	[sflag:s10] =	ssyncadd.s32 $0xFFFFD000  }
0xf5: {  	[tilespmem:s29], [sflag:$0x3] =	stream.strided.gather [hbm4b:s18+s24], $0x100, s25, s24, $0x38;
	[tilespmem:$0x19400] =	vst v63  }
0xf6: {  	_ =	swait.ge [sflag:s6], $0x100  }
0xf7: {  	[sflag:s6] =	ssyncset.done $0x0  }
0xf8: {  	[sflag:s6] =	ssyncadd.s32 $0xFFFFFF00  }
0xf9: {  	_ =	swait.ge [sflag:s5], $0x6400  }
0xfa: {  	[sflag:s5] =	ssyncset.done $0x0  }
0xfb: {  	[sflag:s5] =	ssyncadd.s32 $0xFFFF9C00  }
0xfc: {  	[tilespmem:s12], [sflag:$0x6] =	stream.indirect.gather [hbm4b:s4+s31], $0x80, s28, s31, $0xb8;
	[tilespmem:$0x19400] =	vst v63  }
0xfd: {  	s19 =	simm.s32 $0x6800;
	s12 =	simm.s32 $0x168  }
0xfe: {  	s17 =	simm.s32 $0x9C00  }
0xff: {  	[tilespmem:s17], [sflag:$0x6] =	stream.indirect.gather [hbm4b:s4+s0], $0x80, s12, s0, $0xb8;
	[tilespmem:$0x19400] =	vst v63  }
0x100: {  	s18 =	sadd.s32 $0x1900, s9;
	s17 =	simm.s32 $0xCC00  }
0x101: {  	[hbm4b:s18+s2] =	stream.linear.scatter [tilespmem:s17], [sflag:$0xB], $0x6400, $0x38;
	[tilespmem:$0x19400] =	vst v63  }
0x102: {  	_ =	swait.ge [sflag:s22], $0x3400  }
0x103: {  	[sflag:s22] =	ssyncset.done $0x0  }
0x104: {  	[sflag:s22] =	ssyncadd.s32 $0xFFFFCC00  }
0x105: {  	s14 =	sand.u32 $0x70, s14;
	s18 =	sadd.s32 $0x160, s13;
	_ =	swait.ge [sflag:s22], $0x3000  }
0x106: {  	s14 =	sadd.s32 s3, s14;
	s18 =	sand.u32 $0x3FF00, s18;
	[sflag:s22] =	ssyncset.done $0x0  }
0x107: {  	s14 =	sadd.s32 s18, s14;
	s18 =	simm.s32 $0x300;
	[sflag:s22] =	ssyncadd.s32 $0xFFFFD000  }
0x108: {  	[tilespmem:s7], [sflag:$0x4] =	stream.strided.gather [hbm4b:s14+s24], $0x100, s25, s24, $0x38;
	[tilespmem:$0x19400] =	vst v63  }
0x109: {  	_ =	swait.ge [sflag:s11], $0x100  }
0x10a: {  	[sflag:s11] =	ssyncset.done $0x0  }
0x10b: {  	[sflag:s11] =	ssyncadd.s32 $0xFFFFFF00  }
0x10c: {  	_ =	swait.ge [sflag:s23], $0x6400  }
0x10d: {  	[sflag:s23] =	ssyncset.done $0x0  }
.Ltmp0:
0x10e: {  	s7 =	simm.s32 $0xCC00;
	[sflag:s23] =	ssyncadd.s32 $0xFFFF9C00;
	(pc) =	sbr.rel @p0 .LBB2_2-.Ltmp0, $4  }
0x10f: {  	[tilespmem:s17], [sflag:$0x7] =	stream.indirect.gather [hbm4b:s4+s31], $0x80, s29, s31, $0xb8;
	[tilespmem:$0x19400] =	vst v63  }
0x110: {  	s14 =	simm.s32 $0x268;
	s17 =	simm.s32 $0x10000  }
0x111: {  	[tilespmem:s17], [sflag:$0x7] =	stream.indirect.gather [hbm4b:s4+s0], $0x80, s14, s0, $0xb8;
	[tilespmem:$0x19400] =	vst v63  }
0x112: {  	s13 =	sadd.s32 $0x80, s13;
	s14 =	sadd.s32 $0x2580, s9;
	s9 =	sadd.s32 $0x3200, s9  }
0x113: {  	s9 =	simm.s32 $0x13000  }
0x114: {  	[hbm4b:s14+s2] =	stream.linear.scatter [tilespmem:s9], [sflag:$0xC], $0x6400, $0x38;
	[tilespmem:$0x19400] =	vst v63  }
0x115: {  	_ =	swait.ge [sflag:s15], $0x3400  }
0x116: {  	[sflag:s15] =	ssyncset.done $0x0  }
0x117: {  	[sflag:s15] =	ssyncadd.s32 $0xFFFFCC00  }
0x118: {  	_ =	swait.ge [sflag:s15], $0x3000  }
0x119: {  	[sflag:s15] =	ssyncset.done $0x0  }
0x11a: {  	[sflag:s15] =	ssyncadd.s32 $0xFFFFD000  }
0x11b: {  	_ =	swait.ge [sflag:s16], $0x100  }
0x11c: {  	[sflag:s16] =	ssyncset.done $0x0  }
0x11d: {  	[sflag:s16] =	ssyncadd.s32 $0xFFFFFF00  }
0x11e: {  	_ =	swait.ge [sflag:s1], $0x6400  }
0x11f: {  	[sflag:s1] =	ssyncset.done $0x0  }
0x120: {  	[sflag:s1] =	ssyncadd.s32 $0xFFFF9C00  }
0x121: {  	[tilespmem:s9], [sflag:$0x8] =	stream.indirect.gather [hbm4b:s4+s31], $0x80, s18, s31, $0xb8;
	[tilespmem:$0x19400] =	vst v63  }
0x122: {  	s8 =	simm.s32 $0x368;
	s13 =	simm.s32 $0x16400  }
0x123: {  	[tilespmem:s13], [sflag:$0x8] =	stream.indirect.gather [hbm4b:s4+s0], $0x80, s8, s0, $0xb8;
	[tilespmem:$0x19400] =	vst v63  }
0x124: {  	s17 =	rddreg [dreg:$0xe]  }
0x125: {  	[hbm4b:s17+s2] =	stream.linear.scatter [tilespmem:s25], [sflag:$0x9], $0x6400, $0x38;
	[tilespmem:$0x19400] =	vst v63  }
0x126: {  	_ =	swait.ge [sflag:s20], $0x3400  }
0x127: {  	[sflag:s20] =	ssyncset.done $0x0  }
0x128: {  	[sflag:s20] =	ssyncadd.s32 $0xFFFFCC00  }
0x129: {  	_ =	swait.ge [sflag:s20], $0x3000  }
0x12a: {  	[sflag:s20] =	ssyncset.done $0x0  }
0x12b: {  	s18 =	rddreg [dreg:$0xf];
	[sflag:s20] =	ssyncadd.s32 $0xFFFFD000  }
0x12c: {  	[hbm4b:s18+s2] =	stream.linear.scatter [tilespmem:s19], [sflag:$0xA], $0x6400, $0x38;
	[tilespmem:$0x19400] =	vst v63  }
0x12d: {  	_ =	swait.ge [sflag:s10], $0x3400  }
0x12e: {  	[sflag:s10] =	ssyncset.done $0x0  }
0x12f: {  	[sflag:s10] =	ssyncadd.s32 $0xFFFFCC00  }
0x130: {  	_ =	swait.ge [sflag:s10], $0x3000  }
0x131: {  	[sflag:s10] =	ssyncset.done $0x0  }
0x132: {  	s19 =	rddreg [dreg:$0x10];
	[sflag:s10] =	ssyncadd.s32 $0xFFFFD000  }
0x133: {  	[hbm4b:s19+s2] =	stream.linear.scatter [tilespmem:s7], [sflag:$0xB], $0x6400, $0x38;
	[tilespmem:$0x19400] =	vst v63  }
0x134: {  	_ =	swait.ge [sflag:s22], $0x3400  }
0x135: {  	[sflag:s22] =	ssyncset.done $0x0  }
0x136: {  	[sflag:s22] =	ssyncadd.s32 $0xFFFFCC00  }
0x137: {  	_ =	swait.ge [sflag:s22], $0x3000  }
0x138: {  	[sflag:s22] =	ssyncset.done $0x0  }
0x139: {  	s26 =	rddreg [dreg:$0x11];
	[sflag:s22] =	ssyncadd.s32 $0xFFFFD000  }
0x13a: {  	[hbm4b:s26+s2] =	stream.linear.scatter [tilespmem:s9], [sflag:$0xC], $0x6400, $0x38;
	[tilespmem:$0x19400] =	vst v63  }
0x13b: {  	_ =	swait.ge [sflag:s21], $0x6400  }
0x13c: {  	[sflag:s21] =	ssyncset.done $0x0  }
0x13d: {  	[sflag:s21] =	ssyncadd.s32 $0xFFFF9C00  }
0x13e: {  	_ =	swait.ge [sflag:s5], $0x6400  }
0x13f: {  	[sflag:s5] =	ssyncset.done $0x0  }
0x140: {  	[sflag:s5] =	ssyncadd.s32 $0xFFFF9C00  }
0x141: {  	_ =	swait.ge [sflag:s23], $0x6400  }
0x142: {  	[sflag:s23] =	ssyncset.done $0x0  }
0x143: {  	[sflag:s23] =	ssyncadd.s32 $0xFFFF9C00  }
0x144: {  	_ =	swait.ge [sflag:s1], $0x6400  }
0x145: {  	s28 =	rddreg [dreg:$0x15]  }
0x146: {  	s29 =	rddreg [dreg:$0x12];
	s7 =	sadd.s32 $0x1, s28  }
0x147: {  	p0 =	sne.s32 s7, s29  }
.Ltmp1:
0x148: {  	_ = 	snop;
	(pc) =	sbr.rel @p0 .LBB2_1-.Ltmp1, $4  }
0x149: {  	_ = 	snop  }
0x14a: {  	s14 =	simm.s32 $0x3800;
	s13 =	simm.s32 $0x10000  }
0x14b: {  	s17 =	simm.s32 $0x9C00;
	s19 =	simm.s32 $0x100;
	[sflag:s1] =	ssyncset.done $0x0  }
0x14c: {  	s26 =	simm.s32 $0x200;
	s9 =	simm.s32 $0x268;
	[sflag:s1] =	ssyncadd.s32 $0xFFFF9C00  }
0x14d: {  	_ =	sfence.sel $0x180000  }
0x14e: {  	[bflag:$0x0] =	sbarrier.arrive $0xFFFF  }
0x14f: {  	_ =	strace $0x90000047  }
0x150: {  	s0 =	stileid.u32;
	[bflag:$0x2] =	sbarrier.arrive $0xFFFF  }
0x151: {  	p0 =	sne.s32 s0, $0x0;
	s0 =	rddreg [dreg:$0x1]  }
0x152: {  	s0 =	sadd.s32 @!p0 $0x100000, s0  }
0x153: {  	[sflag:s0] =	ssyncadd.tile.s32 @!p0 $0x1;
	_ =	shalt  }
.Lfunc_end2:
_tile_overlayer_lowered:
.L_overlay_start_2:
0x154: {  	(tag) =	ssettag $0x2  }
0x155: {  	s0 =	rddreg [dreg:$0x0];
	s2 =	stileid.u32  }
0x156: {  	s1 =	rddreg [dreg:$0x1];
	p0 =	sne.s32 s2, $0x0  }
0x157: {  	s3 =	rddreg [dreg:$0x2];
	[bflag:$0x3] =	sbarrier.arrive $0xFFFF;
	s2 =	simm.s32 @!p0 $0x1C0D  }
0x158: {  	[timem:s3], [sflag:s2] =	dma.local @!p0 [hbm:s0], s1  }
0x159: {  	s0 =	simm.s32 @!p0 $0xD  }
0x15a: {  	_ =	swait.ge @!p0 [sflag:s0], s1  }
0x15b: {  	s1 =	ssub.s32 @!p0 $0x0, s1;
	[sflag:s0] =	ssyncset.done @!p0 $0x0  }
0x15c: {  	[sflag:s0] =	ssyncadd.s32 @!p0 s1  }
0x15d: {  	[bflag:$0x3] =	sbarrier.arrive $0xFFFF  }
0x15e: {  	_ =	shalt  }

// kernel: sparse-core-data-format-call.cloned.1.call-start
scs
called_computation_lowered:
.L_overlay_start_0:
0x0: {  	s2 =	sld [smem:$0x3FD9]  }
0x1: {  	s3 =	sld [smem:$0x3FFE];
	_ =	sdelay $0x1  }
0x2: {  	s1 =	srdreg.scid  }
0x3: {  	s0 =	sand.u32 $0x1, s1  }
0x4: {  	s18 =	sshll.u32 s0, $0xA;
	s2 =	sadd.s32 s3, s2  }
0x5: {  	s2 =	sadd.s32 s2, s18  }
0x6: {  	[smem:$0x3FC6] =	sst s2  }
0x7: {  	_ = 	snop  }
0x8: {  	s2 =	sld [smem:$0x3FD0];
	(tm) =	ssettm $0x1  }
0x9: {  	s19 =	sld [smem:$0x3FFB];
	_ =	sdelay $0x3  }
0xa: {  	_ =	strace s19  }
0xb: {  	s3 =	sld [smem:$0x3FFC];
	_ =	sdelay $0x3  }
0xc: {  	_ =	strace s3  }
0xd: {  	s3 =	sld [smem:$0x3FFD];
	_ =	sdelay $0x3  }
0xe: {  	_ =	strace s3  }
0xf: {  	_ =	strace $0x8FFFFFFF  }
0x10: {  	s20 =	sld [smem:$0x3FDB];
	_ =	sdelay $0x1  }
0x11: {  	s4 =	simm.s32 $_scs_section_size  }
0x12: {  	s5 =	simm.s32 $_size__tile_overlayer_lowered;
	s6 =	simm.s32 $_tile_overlayer_lowered  }
0x13: {  	s23 =	simm.s32 $0x1BFF;
	s22 =	sshll.u32 s6, $0x1;
	s3 =	sadd.s32 s4, s20  }
0x14: {  	s7 =	simm.s32 $0x0;
	s21 =	sshll.u32 s5, $0x1;
	s5 =	sadd.s32 s22, s3  }
0x15: {  	[timem:s7], [sflag:s23] =	dma.local [hbm:s5], s21  }
0x16: {  	_ =	swait.ge [sflag:s23], s21  }
0x17: {  	s4 =	ssub.s32 $0x0, s21;
	[sflag:s23] =	ssyncset.done $0x0  }
0x18: {  	[sflag:s23] =	ssyncadd.s32 s4;
	_ =	sdelay $0x1  }
0x19: {  	s24 =	simm.s32 $0x1B8B  }
0x1a: {  	_ =	swait.ge [sflag:s24], $0x1  }
0x1b: {  	[sflag:s24] =	ssyncset.done $0x0  }
0x1c: {  	s26 =	simm.s32 $0x1B8E;
	s25 =	sld [smem:$0x3FFE];
	[sflag:s24] =	ssyncadd.s32 $0xFFFFFFFF  }
0x1d: {  	s27 =	simm.s32 $execute0_lowered;
	[smem:$0x3FD2] =	sst s26  }
0x1e: {  	s5 =	sshll.u32 s27, $0x1;
	_ =	strace $0x80000049;
	[dreg:$0x1] =	wrdreg $0xFFFFFFFF  }
0x1f: {  	s28 =	simm.s32 $_size_execute0_lowered;
	s3 =	sadd.s32 s3, s5;
	[dreg:$0x0] =	wrdreg $0x0  }
0x20: {  	s5 =	sshll.u32 s28, $0x1;
	[dreg:$0x2] =	wrdreg s3  }
0x21: {  	[dreg:$0x3] =	wrdreg s5  }
0x22: {  	[dreg:$0x4] =	wrdreg $0xC0  }
0x23: {  	_ =	task [dreg:s7], $0x5FFFF  }
0x24: {  	[dreg:$0x1] =	wrdreg $0xFFFFFFFF  }
0x25: {  	[dreg:$0x0] =	wrdreg $0x60  }
0x26: {  	[dreg:$0x2] =	wrdreg s25  }
0x27: {  	[dreg:$0x3] =	wrdreg s2  }
0x28: {  	[dreg:$0x4] =	wrdreg $0x9  }
0x29: {  	_ =	task.clear_ibuf [dreg:s7], $0x5FFFF;
	_ =	strace $0x90000049  }
0x2a: {  	s29 =	simm.s32 $0x9;
	_ =	strace $0x8000004B  }
0x2b: {  	_ =	swait.ge [sflag:s29], $0x1  }
0x2c: {  	[sflag:s29] =	ssyncadd.s32 $0xFFFFFFFF  }
0x2d: {  	_ =	strace $0x9000004B  }
0x2e: {  	_ =	sfence  }
0x2f: {  	s30 =	sld [smem:$0x0];
	_ =	sdelay $0x2  }
0x30: {  	s31 =	sshll.u32 s1, $0xD;
	s1 =	sshrl.u32 s1, $0x2  }
0x31: {  	s3 =	sand.u32 $0x4000, s31;
	s1 =	sadd.s32 s1, s30  }
0x32: {  	s0 =	sor.u32 s3, s0;
	s1 =	sshll.u32 s1, $0x11  }
0x33: {  	s0 =	sor.u32 s1, s0  }
0x34: {  	s0 =	sadd.s32 $0x8F2B, s0  }
0x35: {  	[sflag:s0] =	ssyncadd.remote.s32 $0x1  }
0x36: {  	_ =	sfence.sel $0xFFFF  }
0x37: {  	[dreg:$0x0] =	wrdreg $0xFFFFFFFF;
	(pc) =	sbr.abs _section_cstart, $3  }
0x38: {  	[dreg:$0x1] =	wrdreg $0xFFFFFFFF  }
0x39: {  	_ =	task.clear_ibuf [dreg:s7], $0x2FFFF;
	_ =	strace $0x9FFFFFFF  }
0x3a: {  	(tm) =	ssettm $0x7FFFFFFF  }
0x3b: {  	_ =	shalt  }
tec
execute0_lowered:
.L_overlay_start_1:
0x0: {  	(tag) =	ssettag $0x1  }
0x1: {  	s0 =	srdreg.scid  }
0x2: {  	s1 =	sshll.u32 s0, $0x4  }
0x3: {  	s6 =	rddreg [dreg:$0x0];
	s0 =	stileid.u32;
	s1 =	sand.u32 $0x10, s1  }
0x4: {  	s3 =	rddreg [dreg:$0x1];
	s1 =	sor.u32 s0, s1  }
0x5: {  	s5 =	simm.s32 $0x1;
	s31 =	simm.s32 $0x2;
	s2 =	sshll.u32 s1, $0x7  }
0x6: {  	s15 =	simm.s32 $0x0;
	s8 =	simm.s32 $0xC8000;
	s4 =	ssub.s32 $0x1000, s2  }
0x7: {  	s14 =	simm.s32 $0x0;
	s9 =	simm.s32 $0x0;
	s30 =	sand.u32 $0xF80, s4  }
0x8: {  	s10 =	simm.s32 $0x0;
	s11 =	simm.s32 $0x0;
	p0 =	sne.s32 s30, $0x0  }
.Ltmp0:
0x9: {  	s7 =	sshrl.u32 s4, $0xC;
	s5 =	simm.s32 @!p0 $0x0;
	(pc) =	sbr.rel .LBB1_1-.Ltmp0, $4  }
0xa: {  	s13 =	simm.s32 $0x0;
	s1 =	rddreg [dreg:$0x2];
	s5 =	sadd.s32 s5, s7  }
0xb: {  	_ =	strace $0x8000004A;
	s4 =	simm.s32 $0x1;
	s5 =	smul.u32 $0xC8, s5  }
0xc: {  	s6 =	sadd.s32 $0x1A7200, s6;
	s12 =	smov.u32 s2;
	[sflag:s4] =	ssyncpa.u1 $0x0  }
0xd: {  	[sflag:s31] =	ssyncpa.u1 $0x0;
	p0 =	por $0x0, $0x0;
	s7 =	sor.u32 $0x1, s5  }
.LBB1_4:
0xe: {  	s20 =	sshra.s32 s20, $0x2;
	s27 =	sshll.u32 s9, $0xC  }
0xf: {  	s21 =	sand.u32 $0x78, s10;
	s22 =	sshll.u32 s10, $0x3;
	s24 =	sshll.u32 s9, $0x7  }
0x10: {  	p1 =	sgt.s32 s9, $0xC7;
	s30 =	sshra.s32 s9, $0x1F;
	s25 =	sshra.s32 s10, $0x1F  }
0x11: {  	s19 =	sadd.s32 s20, s19;
	s20 =	sand.u32 $0xFFFF8000, s27;
	s23 =	sand.u32 $0xFFFFFC00, s22  }
0x12: {  	v5 =	vld [tilespmem:s17+$0xFFFFFFD0];
	[tilespmem:s18+$0x2040 ss:$0x81] =	vst.msk $0xffff, v4;
	s22 =	sand.u32 $0xC00, s22;
	s28 =	sand.u32 $0x380, s24;
	s31 =	sand.u32 s30, s9  }
0x13: {  	v58 =	vld [tilespmem:s17+$0xFFFFFFE0];
	[tilespmem:s18+$0x2850 ss:$0x81] =	vst.msk $0xffff, v3;
	s24 =	smov.u32 s10;
	s25 =	sand.u32 s25, s10;
	s20 =	sadd.s32 s23, s20  }
0x14: {  	v59 =	vld [tilespmem:s17+$0xFFFFFFF0];
	[tilespmem:s18+$0x3060 ss:$0x81] =	vst.msk $0xffff, v2;
	s21 =	sor.u32 s21, s22;
	s22 =	smov.u32 s9;
	s20 =	sshrl.u32 s20, $0xC  }
0x15: {  	v60 =	vld [tilespmem:s17+$0x0];
	[tilespmem:s18+$0x0 ss:$0x81] =	vst.msk $0xffff, v1;
	s22 =	simm.s32 @!p1 $0xC7;
	p1 =	sgt.s32 s10, $0xF80;
	s29 =	smulhi.u32 $0x147AE15, s20  }
0x16: {  	v61 =	vld [tilespmem:s17+$0x10];
	[tilespmem:s19+$0x3870 ss:$0x81] =	vst.msk $0xffff, v0;
	s21 =	sor.u32 s28, s21;
	s18 =	ssub.s32 s22, s31;
	s24 =	simm.s32 @!p1 $0xF80  }
0x17: {  	v62 =	vld [tilespmem:s17+$0x20];
	[tilespmem:s19+$0x810 ss:$0x81] =	vst.msk $0xffff, v5;
	s22 =	ssub.s32 s24, s25;
	s26 =	ssub.s32 $0xC8, s18;
	s23 =	smul.u32 $0xC8, s29  }
0x18: {  	v63 =	vld [tilespmem:s17+$0xFFFFFFC0];
	[tilespmem:s19+$0x1020 ss:$0x81] =	vst.msk $0xffff, v58;
	s27 =	sadd.s32 $0xFFFFFF39, s18;
	s18 =	smul.u32 $0x64, s26;
	s28 =	sadd.s32 $0xFFFFF080, s22  }
0x19: {  	[tilespmem:s19+$0x1830 ss:$0x81] =	vst.msk $0xffff, v59;
	p1 =	sgt.s32 s27, $0x0;
	s17 =	ssub.s32 $0x1000, s22;
	p2 =	sgt.s32 s28, $0x7F  }
0x1a: {  	s30 =	sand.u32 $0x7, s10;
	[tilespmem:s19+$0x2040 ss:$0x81] =	vst.msk $0xffff, v60;
	s18 =	simm.s32 @p1 $0x0;
	s17 =	simm.s32 @p2 $0x0  }
0x1b: {  	[tilespmem:s19+$0x2850 ss:$0x81] =	vst.msk $0xffff, v61;
	s29 =	sshrl.u32 s21, $0x3;
	s20 =	ssub.s32 s20, s23;
	s17 =	smul.u32 s17, s18  }
0x1c: {  	[tilespmem:s19+$0x3060 ss:$0x81] =	vst.msk $0xffff, v62;
	s21 =	sshll.u32 s30, $0x12;
	s20 =	sshll.u32 s20, $0x9;
	s18 =	sadd.s32 s3, s29  }
0x1d: {  	[tilespmem:s19+$0x0 ss:$0x81] =	vst.msk $0xffff, v63;
	s31 =	sor.u32 $0x80, s21;
	s18 =	sadd.s32 s20, s18;
	s17 =	sand.u32 $0x3FFFFFFC, s17  }
0x1e: {  	[hbm4b:s18+s31] =	stream.strided.scatter [tilespmem:s16], [sflag:$0x2], s17, s8, s31, $0x20;
	[tilespmem:$0x10100] =	vst v63  }
.LBB1_5:
0x1f: {  	p1 =	slt.u32 s13, $0x2  }
0x20: {  	s17 =	smov.u32 s15;
	p2 =	sgt.s32 @!p1 s15, $0xC7;
	s16 =	sshra.s32 @!p1 s15, $0x1F  }
0x21: {  	p3 =	sgt.s32 @!p1 s14, $0xF80;
	s18 =	sshra.s32 @!p1 s14, $0x1F;
	p2 =	por !p2, p1  }
0x22: {  	s15 =	sand.u32 @!p1 s16, s15;
	p3 =	por !p3, p1;
	s16 =	smov.u32 s14  }
0x23: {  	s14 =	sand.u32 @!p1 s18, s14;
	s17 =	simm.s32 @p2 $0xC7;
	s16 =	simm.s32 @p3 $0xF80  }
0x24: {  	s18 =	smov.u32 s12;
	s15 =	ssub.s32 @!p1 s17, s15;
	s14 =	ssub.s32 @!p1 s16, s14  }
0x25: {  	s16 =	sadd.s32 @!p1 $0xFFFFFF39, s15;
	s15 =	ssub.s32 @!p1 $0xC8, s15;
	s17 =	sadd.s32 @!p1 $0xFFFFF080, s14  }
0x26: {  	p2 =	sgt.s32 @!p1 s16, $0x0;
	s15 =	smul.u32 @!p1 $0x64, s15;
	p3 =	sgt.s32 @!p1 s17, $0x7F  }
0x27: {  	s14 =	ssub.s32 @!p1 $0x1000, s14;
	p2 =	por !p2, p1;
	p3 =	por !p3, p1  }
0x28: {  	s16 =	sadd.s32 $0x1, s11;
	s15 =	simm.s32 @!p2 $0x0;
	s14 =	simm.s32 @!p3 $0x0  }
0x29: {  	p2 =	sgt.s32 s16, $0xC7;
	s14 =	smul.u32 @!p1 s14, s15;
	s15 =	sadd.s32 $0x1000, s12  }
0x2a: {  	s18 =	smov.u32 @p2 s15  }
0x2b: {  	s16 =	simm.s32 @p2 $0x0;
	p2 =	sgt.s32 s18, $0xFFF  }
0x2c: {  	s18 =	smov.u32 @p2 s2;
	p2 =	sne.s32 s13, s7  }
.Ltmp1:
0x2d: {  	p0 =	por !p0, !p0;
	s17 =	simm.s32 @!p1 $0x2;
	(pc) =	sbr.rel @!p2 .LBB1_6-.Ltmp1, $4  }
0x2e: {  	s15 =	smov.u32 s9;
	s9 =	smov.u32 s11;
	s14 =	sand.u32 @!p1 $0x3FFFFFFC, s14  }
0x2f: {  	s11 =	smov.u32 s16;
	_ =	swait.ge @!p1 [sflag:s17], s14;
	s19 =	ssub.s32 @!p1 $0x0, s14  }
0x30: {  	s14 =	smov.u32 s10;
	s13 =	sadd.s32 $0x1, s13;
	[sflag:s17] =	ssyncset.done @!p1 $0x0  }
0x31: {  	s10 =	smov.u32 s12;
	s12 =	smov.u32 s18;
	[sflag:s17] =	ssyncadd.s32 @!p1 s19  }
.LBB1_1:
0x32: {  	p1 =	sge.u32 s13, s5  }
0x33: {  	s16 =	sand.u32 @!p1 $0x1FFFFFF, s11  }
0x34: {  	s17 =	smulhi.u32 @!p1 $0x147AE15, s16;
	_ =	sdelay $0x1  }
0x35: {  	s17 =	smul.u32 @!p1 $0xC8, s17  }
0x36: {  	s18 =	sxor.u32 @!p1 $0xFFFFFFFF, s13;
	s19 =	smul.u32 @!p1 $0xC80, s12  }
0x37: {  	s31 =	sadd.s32 $0xFFFFFFFF, s13;
	s18 =	sshll.u32 @!p1 s18, $0xE;
	s16 =	ssub.s32 @!p1 s16, s17  }
0x38: {  	s17 =	sand.u32 @!p1 $0x4000, s18;
	s18 =	sadd.s32 @!p1 s6, s19;
	s16 =	sshll.u32 @!p1 s16, $0x4  }
0x39: {  	s19 =	simm.s32 @!p1 $0x6400;
	s16 =	sadd.s32 @!p1 s16, s18;
	s18 =	simm.s32 @!p1 $0x80  }
0x3a: {  	[tilespmem:s17], [sflag:$0x1] =	stream.strided.gather @!p1 [hbm4b:s16+s18], $0x4000, s19, s18, $0x38;
	[tilespmem:$0x10100] =	vst v63  }
0x3b: {  	p1 =	sge.u32 s31, s5  }
.Ltmp2:
0x3c: {  	_ = 	snop;
	(pc) =	sbr.rel @p1 .LBB1_5-.Ltmp2, $1  }
0x3d: {  	_ =	sdelay $0x3  }
0x3e: {  	s16 =	simm.s32 $0x1  }
0x3f: {  	_ =	swait.ge [sflag:s4], $0x4000;
	s16 =	simm.s32 @!p0 $0x0  }
0x40: {  	[sflag:s4] =	ssyncset.done $0x0;
	s17 =	sshll.u32 s16, $0xE  }
0x41: {  	[sflag:s4] =	ssyncadd.s32 $0xFFFFC000;
	s17 =	sor.u32 $0x40, s17  }
0x42: {  	s16 =	smul.u32 $0x10200, s16;
	v0 =	vld [tilespmem:s17+$0x30]  }
0x43: {  	v1 =	vld [tilespmem:s17+$0xFFFFFFD0]  }
0x44: {  	s16 =	sshrl.u32 s16, $0x2;
	v5 =	vld [tilespmem:s17+$0xFFFFFFE0]  }
0x45: {  	v6 =	vld [tilespmem:s17+$0xFFFFFFF0];
	s19 =	sor.u32 $0x8000, s16  }
0x46: {  	s31 =	sand.u32 $0x1, s13;
	v4 =	vld [tilespmem:s17+$0x0];
	s18 =	sadd.s32 $0x0, s19  }
0x47: {  	v3 =	vld [tilespmem:s17+$0x10];
	s16 =	smul.u32 $0x10200, s31;
	[tilespmem:s18+$0x3870 ss:$0x81] =	vst.msk $0xffff, v0  }
0x48: {  	v2 =	vld [tilespmem:s17+$0x20];
	[tilespmem:s18+$0x810 ss:$0x81] =	vst.msk $0xffff, v1  }
0x49: {  	s16 =	sshrl.u32 s16, $0x2;
	v1 =	vld [tilespmem:s17+$0xFFFFFFC0];
	[tilespmem:s18+$0x1020 ss:$0x81] =	vst.msk $0xffff, v5;
	s17 =	sadd.s32 $0x80, s17  }
0x4a: {  	s20 =	simm.s32 $0x4;
	s21 =	simm.s32 $0x8;
	s16 =	sor.u32 $0x8000, s16;
	[tilespmem:s18+$0x1830 ss:$0x81] =	vst.msk $0xffff, v6;
	v0 =	vld [tilespmem:s17+$0x30]  }
.LBB1_3:
0x4b: {  	p1 =	sne.s32 s21, $0x1FC;
	v5 =	vld [tilespmem:s17+$0xFFFFFFD0];
	[tilespmem:s18+$0x2040 ss:$0x81] =	vst.msk $0xffff, v4  }
0x4c: {  	v6 =	vld [tilespmem:s17+$0xFFFFFFE0];
	[tilespmem:s18+$0x2850 ss:$0x81] =	vst.msk $0xffff, v3  }
0x4d: {  	s22 =	sshra.s32 s20, $0x2;
	s20 =	smov.u32 s21;
	v7 =	vld [tilespmem:s17+$0xFFFFFFF0];
	[tilespmem:s18+$0x3060 ss:$0x81] =	vst.msk $0xffff, v2  }
.Ltmp3:
0x4e: {  	v4 =	vld [tilespmem:s17+$0x0];
	[tilespmem:s18+$0x0 ss:$0x81] =	vst.msk $0xffff, v1;
	s18 =	sadd.s32 s22, s19;
	(pc) =	sbr.rel @p1 .LBB1_3-.Ltmp3, $4  }
0x4f: {  	v3 =	vld [tilespmem:s17+$0x10];
	[tilespmem:s18+$0x3870 ss:$0x81] =	vst.msk $0xffff, v0  }
0x50: {  	[tilespmem:s18+$0x810 ss:$0x81] =	vst.msk $0xffff, v5;
	v2 =	vld [tilespmem:s17+$0x20]  }
0x51: {  	v1 =	vld [tilespmem:s17+$0xFFFFFFC0];
	[tilespmem:s18+$0x1020 ss:$0x81] =	vst.msk $0xffff, v6;
	s17 =	sadd.s32 $0x80, s17  }
0x52: {  	s21 =	sadd.s32 $0x4, s21;
	v0 =	vld [tilespmem:s17+$0x30];
	[tilespmem:s18+$0x1830 ss:$0x81] =	vst.msk $0xffff, v7  }
.Ltmp4:
0x53: {  	_ = 	snop;
	(pc) =	sbr.rel .LBB1_4-.Ltmp4, $1  }
0x54: {  	_ =	sdelay $0x3  }
.LBB1_6:
0x55: {  	_ =	sfence.sel $0x180000  }
0x56: {  	s2 =	simm.s32 $0x1;
	[bflag:$0x0] =	sbarrier.arrive $0xFFFF  }
0x57: {  	s31 =	simm.s32 $0x2;
	[sflag:s2] =	ssyncpa.u1 $0x1  }
0x58: {  	[sflag:s31] =	ssyncpa.u1 $0x1  }
0x59: {  	p0 =	sne.s32 s0, $0x0;
	_ =	strace $0x9000004A  }
0x5a: {  	s0 =	sadd.s32 @!p0 $0x100000, s1;
	[bflag:$0x2] =	sbarrier.arrive $0xFFFF  }
0x5b: {  	[sflag:s0] =	ssyncadd.tile.s32 @!p0 $0x1;
	_ =	shalt  }
.Lfunc_end1:
_tile_overlayer_lowered:
.L_overlay_start_2:
0x5c: {  	(tag) =	ssettag $0x2  }
0x5d: {  	s0 =	rddreg [dreg:$0x0];
	s2 =	stileid.u32  }
0x5e: {  	s1 =	rddreg [dreg:$0x1];
	p0 =	sne.s32 s2, $0x0  }
0x5f: {  	s3 =	rddreg [dreg:$0x2];
	[bflag:$0x3] =	sbarrier.arrive $0xFFFF;
	s2 =	simm.s32 @!p0 $0x1C01  }
0x60: {  	[timem:s3], [sflag:s2] =	dma.local @!p0 [hbm:s0], s1  }
0x61: {  	s0 =	simm.s32 @!p0 $0x1  }
0x62: {  	_ =	swait.ge @!p0 [sflag:s0], s1  }
0x63: {  	s1 =	ssub.s32 @!p0 $0x0, s1;
	[sflag:s0] =	ssyncset.done @!p0 $0x0  }
0x64: {  	[sflag:s0] =	ssyncadd.s32 @!p0 s1  }
0x65: {  	[bflag:$0x3] =	sbarrier.arrive $0xFFFF  }
0x66: {  	_ =	shalt  }

</sc_bundles>
